<compile_context>
chip_gen: v7x
topology: tpu7x:2x2x1
jax: 0.10.2.dev20260603
libtpu: 0.0.44.dev20260713+nightly
codegen_flags: <defaults>
</compile_context>

<pallas_src>
import functools

import jax
import jax.numpy as jnp
from jax import lax
from jax.experimental import pallas as pl
from jax.experimental.pallas import tpu as pltpu
from jax.experimental.pallas import tpu_sc as plsc

B = 16384
F = 26
D = 16
DIN = F * D
H0, H1, H2 = 1024, 512, 256
EPS = 1e-5
NIDX = B * F
TOTAL = 2600000

_NC, _NS = 2, 16
_NW = _NC * _NS
_PER_W = NIDX // _NW
_G = 128
_GROUPS = _PER_W // _G
_CH_G = 8
_CH = _CH_G * _G
_NCH = _GROUPS // _CH_G


def _sc_gather(xf, emb, o1f):

    @functools.partial(
        pl.kernel,
        out_type=(
            jax.ShapeDtypeStruct((NIDX, D), jnp.float32),
            jax.ShapeDtypeStruct((NIDX,), jnp.float32),
        ),
        mesh=plsc.VectorSubcoreMesh(core_axis_name="c", subcore_axis_name="s"),
        compiler_params=pltpu.CompilerParams(use_tc_tiling_on_sc=False),
        scratch_types=[
            pltpu.VMEM((_CH_G, _G), jnp.int32),
            pltpu.VMEM((_CH, D), jnp.float32),
            pltpu.VMEM((_CH,), jnp.float32),
            pltpu.SemaphoreType.DMA,
        ],
    )
    def k(idx_hbm, emb_hbm, o1_hbm, rows_out, o1_out, idx_v, rows_v, o1_v, sem):
        wid = lax.axis_index("s") * _NC + lax.axis_index("c")

        def chunk(i, carry):
            row0 = wid * _GROUPS + i * _CH_G
            base = wid * _PER_W + i * _CH
            pltpu.sync_copy(idx_hbm.at[pl.ds(row0, _CH_G)], idx_v)
            for g in range(_CH_G):
                pltpu.async_copy(
                    emb_hbm.at[idx_v.at[g]], rows_v.at[pl.ds(g * _G, _G)], sem)
                pltpu.async_copy(
                    o1_hbm.at[0].at[idx_v.at[g]], o1_v.at[pl.ds(g * _G, _G)],
                    sem)
            pltpu.make_async_copy(rows_out.at[pl.ds(0, _CH)], rows_v, sem).wait()
            pltpu.make_async_copy(o1_out.at[pl.ds(0, _CH)], o1_v, sem).wait()
            pltpu.sync_copy(rows_v, rows_out.at[pl.ds(base, _CH)])
            pltpu.sync_copy(o1_v, o1_out.at[pl.ds(base, _CH)])
            return carry

        lax.fori_loop(0, _NCH, chunk, 0)

    return k(xf, emb, o1f)


_BM = 512
_NB = B // _BM


def _k1_body(x_ref, w0_ref, b0_ref, g1_ref, bt1_ref, s1_ref, t1_ref,
             c_acc, sum_acc):
    i = pl.program_id(0)

    @pl.when(i == 0)
    def _():
        c_acc[...] = jnp.zeros_like(c_acc)
        sum_acc[...] = jnp.zeros_like(sum_acc)

    xb = x_ref[...]
    c_acc[...] += lax.dot_general(
        xb, xb, (((0,), (0,)), ((), ())), preferred_element_type=jnp.float32)
    sum_acc[...] += jnp.sum(xb, axis=0, keepdims=True)

    @pl.when(i == _NB - 1)
    def _():
        c = c_acc[...] * (1.0 / B)
        m = sum_acc[...] * (1.0 / B)
        w0 = w0_ref[...]
        b0 = b0_ref[...]
        p = jnp.dot(c, w0, preferred_element_type=jnp.float32)
        quad = jnp.sum(w0 * p, axis=0, keepdims=True)
        mm = jnp.dot(m, w0, preferred_element_type=jnp.float32)
        mean = mm + b0
        ex2 = quad + 2.0 * b0 * mm + b0 * b0
        var = ex2 - mean * mean
        s1 = g1_ref[...] * lax.rsqrt(var + EPS)
        s1_ref[...] = s1
        t1_ref[...] = bt1_ref[...] - mean * s1


def _k1(x, w0, b0, g1, bt1):
    return pl.pallas_call(
        _k1_body,
        grid=(_NB,),
        in_specs=[
            pl.BlockSpec((_BM, DIN), lambda i: (i, 0)),
            pl.BlockSpec((DIN, H0), lambda i: (0, 0)),
            pl.BlockSpec((1, H0), lambda i: (0, 0)),
            pl.BlockSpec((1, H0), lambda i: (0, 0)),
            pl.BlockSpec((1, H0), lambda i: (0, 0)),
        ],
        out_specs=[
            pl.BlockSpec((1, H0), lambda i: (0, 0)),
            pl.BlockSpec((1, H0), lambda i: (0, 0)),
        ],
        out_shape=[
            jax.ShapeDtypeStruct((1, H0), jnp.float32),
            jax.ShapeDtypeStruct((1, H0), jnp.float32),
        ],
        scratch_shapes=[
            pltpu.VMEM((DIN, DIN), jnp.float32),
            pltpu.VMEM((1, DIN), jnp.float32),
        ],
    )(x, w0, b0, g1, bt1)


def _k2_body(x_ref, o1v_ref, w0_ref, b0_ref, s1_ref, t1_ref, w1_ref, b1_ref,
             g2_ref, bt2_ref, h1_ref, side_ref, s2_ref, t2_ref,
             sum_acc, sq_acc):
    i = pl.program_id(0)

    @pl.when(i == 0)
    def _():
        sum_acc[...] = jnp.zeros_like(sum_acc)
        sq_acc[...] = jnp.zeros_like(sq_acc)

    xb = x_ref[...]
    h0 = jnp.dot(xb, w0_ref[...], preferred_element_type=jnp.float32) + b0_ref[...]
    a1 = jnp.maximum(h0 * s1_ref[...] + t1_ref[...], 0.0)
    h1 = jnp.dot(a1, w1_ref[...], preferred_element_type=jnp.float32) + b1_ref[...]
    h1_ref[...] = h1
    sum_acc[...] += jnp.sum(h1, axis=0, keepdims=True)
    sq_acc[...] += jnp.sum(h1 * h1, axis=0, keepdims=True)

    rows = lax.broadcasted_iota(jnp.int32, (DIN, D), 0)
    cols = lax.broadcasted_iota(jnp.int32, (DIN, D), 1)
    sel = jnp.where(rows % D == cols, 1.0, 0.0).astype(jnp.float32)
    se = jnp.dot(xb, sel, preferred_element_type=jnp.float32)
    sq = jnp.dot(xb * xb, sel, preferred_element_type=jnp.float32)
    o2 = 0.5 * jnp.sum(se * se - sq, axis=1, keepdims=True)
    o1 = lax.dot_general(o1v_ref[...], jnp.ones((F, 1), jnp.float32),
                         (((1,), (0,)), ((), ())),
                         preferred_element_type=jnp.float32)
    side_ref[...] = o1 + o2

    @pl.when(i == _NB - 1)
    def _():
        mean = sum_acc[...] * (1.0 / B)
        var = sq_acc[...] * (1.0 / B) - mean * mean
        s2 = g2_ref[...] * lax.rsqrt(var + EPS)
        s2_ref[...] = s2
        t2_ref[...] = bt2_ref[...] - mean * s2


def _k2(x, o1v, w0, b0, s1, t1, w1, b1, g2, bt2):
    return pl.pallas_call(
        _k2_body,
        grid=(_NB,),
        in_specs=[
            pl.BlockSpec((_BM, DIN), lambda i: (i, 0)),
            pl.BlockSpec((_BM, F), lambda i: (i, 0)),
            pl.BlockSpec((DIN, H0), lambda i: (0, 0)),
            pl.BlockSpec((1, H0), lambda i: (0, 0)),
            pl.BlockSpec((1, H0), lambda i: (0, 0)),
            pl.BlockSpec((1, H0), lambda i: (0, 0)),
            pl.BlockSpec((H0, H1), lambda i: (0, 0)),
            pl.BlockSpec((1, H1), lambda i: (0, 0)),
            pl.BlockSpec((1, H1), lambda i: (0, 0)),
            pl.BlockSpec((1, H1), lambda i: (0, 0)),
        ],
        out_specs=[
            pl.BlockSpec((_BM, H1), lambda i: (i, 0)),
            pl.BlockSpec((_BM, 1), lambda i: (i, 0)),
            pl.BlockSpec((1, H1), lambda i: (0, 0)),
            pl.BlockSpec((1, H1), lambda i: (0, 0)),
        ],
        out_shape=[
            jax.ShapeDtypeStruct((B, H1), jnp.float32),
            jax.ShapeDtypeStruct((B, 1), jnp.float32),
            jax.ShapeDtypeStruct((1, H1), jnp.float32),
            jax.ShapeDtypeStruct((1, H1), jnp.float32),
        ],
        scratch_shapes=[
            pltpu.VMEM((1, H1), jnp.float32),
            pltpu.VMEM((1, H1), jnp.float32),
        ],
    )(x, o1v, w0, b0, s1, t1, w1, b1, g2, bt2)


def _k3_body(h1_ref, side_ref, s2_ref, t2_ref, w2_ref, b2_ref, w3_ref, b3_ref,
             out_ref):
    a2 = jnp.maximum(h1_ref[...] * s2_ref[...] + t2_ref[...], 0.0)
    h2 = jnp.dot(a2, w2_ref[...], preferred_element_type=jnp.float32) + b2_ref[...]
    dnn = jnp.dot(h2, w3_ref[...], preferred_element_type=jnp.float32) + b3_ref[...]
    out_ref[...] = dnn + side_ref[...]


def _k3(h1, side, s2, t2, w2, b2, w3, b3):
    return pl.pallas_call(
        _k3_body,
        grid=(_NB,),
        in_specs=[
            pl.BlockSpec((_BM, H1), lambda i: (i, 0)),
            pl.BlockSpec((_BM, 1), lambda i: (i, 0)),
            pl.BlockSpec((1, H1), lambda i: (0, 0)),
            pl.BlockSpec((1, H1), lambda i: (0, 0)),
            pl.BlockSpec((H1, H2), lambda i: (0, 0)),
            pl.BlockSpec((1, H2), lambda i: (0, 0)),
            pl.BlockSpec((H2, 1), lambda i: (0, 0)),
            pl.BlockSpec((1, 1), lambda i: (0, 0)),
        ],
        out_specs=pl.BlockSpec((_BM, 1), lambda i: (i, 0)),
        out_shape=jax.ShapeDtypeStruct((B, 1), jnp.float32),
    )(h1, side, s2, t2, w2, b2, w3, b3)


def kernel(x, cat_embed, o1_fc, W0, b0, g1, beta1, W1, b1, g2, beta2, W2, b2,
           W3, b3):
    xf = x.astype(jnp.int32).reshape(NIDX // _G, _G)
    rows, o1g = _sc_gather(xf, cat_embed, o1_fc.T)
    X = rows.reshape(B, DIN)
    o1v = o1g.reshape(B, F)
    r = lambda a: a.reshape(1, -1)
    s1, t1 = _k1(X, W0, r(b0), r(g1), r(beta1))
    h1, side, s2, t2 = _k2(X, o1v, W0, r(b0), s1, t1, W1, r(b1), r(g2), r(beta2))
    return _k3(h1, side, s2, t2, W2, r(b2), W3, r(b3))

# --- scband reference (transcript-rebuilt; emitter-appended) ---
"""Pipeline reference for scband-deep-fm-40810779246675 (READ-ONLY COPY).

The authoritative reference and input builder live on the scoring server;
editing this copy changes nothing except your own understanding.
"""

import jax, jax.numpy as jnp
import numpy as np

B = 16384
N_FIELDS = 26
TOTAL_DIM = 2600000
EMBED_DIM = 16
MLP_DIMS = [1024, 512, 256]
EPS = 1e-5


def setup_inputs(seed: int = 0) -> dict:
    key = jax.random.key(seed)
    ks = jax.random.split(key, 16)
    x = jax.random.randint(ks[0], (B, N_FIELDS), 0, TOTAL_DIM, dtype=jnp.int64)
    cat_embed = jax.random.normal(ks[1], (TOTAL_DIM, EMBED_DIM), dtype=jnp.float32) * 0.01
    o1_fc = jax.random.normal(ks[2], (TOTAL_DIM, 1), dtype=jnp.float32) * 0.01
    d_in = N_FIELDS * EMBED_DIM  # 416
    W0 = jax.random.normal(ks[3], (d_in, MLP_DIMS[0]), dtype=jnp.float32) * (1.0 / np.sqrt(d_in))
    b0 = jnp.zeros((MLP_DIMS[0],), dtype=jnp.float32)
    g1 = jnp.ones((MLP_DIMS[0],), dtype=jnp.float32)
    beta1 = jnp.zeros((MLP_DIMS[0],), dtype=jnp.float32)
    W1 = jax.random.normal(ks[4], (MLP_DIMS[0], MLP_DIMS[1]), dtype=jnp.float32) * (1.0 / np.sqrt(MLP_DIMS[0]))
    b1 = jnp.zeros((MLP_DIMS[1],), dtype=jnp.float32)
    g2 = jnp.ones((MLP_DIMS[1],), dtype=jnp.float32)
    beta2 = jnp.zeros((MLP_DIMS[1],), dtype=jnp.float32)
    W2 = jax.random.normal(ks[5], (MLP_DIMS[1], MLP_DIMS[2]), dtype=jnp.float32) * (1.0 / np.sqrt(MLP_DIMS[1]))
    b2 = jnp.zeros((MLP_DIMS[2],), dtype=jnp.float32)
    W3 = jax.random.normal(ks[6], (MLP_DIMS[2], 1), dtype=jnp.float32) * (1.0 / np.sqrt(MLP_DIMS[2]))
    b3 = jnp.zeros((1,), dtype=jnp.float32)
    return {"x": x, "cat_embed": cat_embed, "o1_fc": o1_fc,
            "W0": W0, "b0": b0, "g1": g1, "beta1": beta1,
            "W1": W1, "b1": b1, "g2": g2, "beta2": beta2,
            "W2": W2, "b2": b2, "W3": W3, "b3": b3}


def _batchnorm(h, gamma, beta):
    mean = jnp.mean(h, axis=0)
    var = jnp.var(h, axis=0)
    return (h - mean) / jnp.sqrt(var + EPS) * gamma + beta


def reference(x, cat_embed, o1_fc, W0, b0, g1, beta1, W1, b1, g2, beta2, W2, b2, W3, b3):
    emb = jnp.take(cat_embed, x, axis=0)          # (B, n_fields, embed_dim)
    o1_out = jnp.sum(jnp.take(o1_fc, x, axis=0), axis=1)  # (B, 1)
    square_of_sums = jnp.sum(emb, axis=1) ** 2    # (B, embed_dim)
    sum_of_squares = jnp.sum(emb ** 2, axis=1)    # (B, embed_dim)
    o2_out = 0.5 * jnp.sum(square_of_sums - sum_of_squares, axis=1, keepdims=True)  # (B, 1)
    dnn_in = emb.reshape(x.shape[0], -1)          # (B, n_fields*embed_dim)
    h = dnn_in @ W0 + b0
    h = _batchnorm(h, g1, beta1)
    h = jax.nn.relu(h)
    h = h @ W1 + b1
    h = _batchnorm(h, g2, beta2)
    h = jax.nn.relu(h)
    h = h @ W2 + b2
    dnn_out = h @ W3 + b3                         # (B, 1)
    logits = o1_out + o2_out + dnn_out
    return logits

if __name__ == "__main__":
    import jax
    _d = setup_inputs()
    print(jax.jit(kernel)(*tuple(_d.values())))

</pallas_src>

<mosaic_0001>
#map = affine_map<(d0, d1) -> (0, 0)>
#map1 = affine_map<(d0, d1) -> (0)>
module attributes {stable_mosaic.version = 14 : i64} {
  func.func @k(%arg0: i32, %arg1: i32, %arg2: memref<3328x128xi32, #tpu.memory_space<hbm>>, %arg3: memref<2600000x16xf32, #tpu.memory_space<hbm>>, %arg4: memref<1x2600000xf32, #tpu.memory_space<hbm>>, %arg5: memref<425984x16xf32, #tpu.memory_space<hbm>>, %arg6: memref<425984xf32, #tpu.memory_space<hbm>>, %arg7: memref<8x128xi32, #tpu.memory_space<vmem>>, %arg8: memref<1024x16xf32, #tpu.memory_space<vmem>>, %arg9: memref<1024xf32, #tpu.memory_space<vmem>>, %arg10: memref<!tpu.dma_semaphore, #tpu.memory_space<semaphore_mem>>) attributes {dimension_semantics = [#tpu.dimension_semantics<core_parallel>, #tpu.dimension_semantics<subcore_parallel>], iteration_bounds = array<i64: 2, 16>, scalar_prefetch = 0 : i64, scratch_operands = 4 : i64, tpu.core_type = #tpu.core_type<sc_vector_subcore>, window_params = [{transform_indices = #map}, {transform_indices = #map}, {transform_indices = #map}, {transform_indices = #map}, {transform_indices = #map1}]} {
    %mul3A = arith.constant 2 : i32
    %mul3A_0 = arith.muli %arg1, %mul3A : i32
    %add3A = arith.addi %mul3A_0, %arg0 : i32
    %scan3A = arith.constant 0 : i32
    %scan3A_1 = arith.constant 0 : i32
    %scan3A_2 = arith.constant 13 : i32
    %scan3A_3 = arith.addi %scan3A_1, %scan3A_2 : i32
    %scan3A_4 = arith.constant 1 : i32
    scf.for %scan3A_6 = %scan3A_1 to %scan3A_3 step %scan3A_4  : i32 {
      %mul3A_7 = arith.constant 104 : i32
      %mul3A_8 = arith.muli %add3A, %mul3A_7 : i32
      %mul3A_9 = arith.constant 8 : i32
      %mul3A_10 = arith.muli %scan3A_6, %mul3A_9 : i32
      %add3A_11 = arith.addi %mul3A_8, %mul3A_10 : i32
      %mul3A_12 = arith.constant 13312 : i32
      %mul3A_13 = arith.muli %add3A, %mul3A_12 : i32
      %mul3A_14 = arith.constant 1024 : i32
      %mul3A_15 = arith.muli %scan3A_6, %mul3A_14 : i32
      %add3A_16 = arith.addi %mul3A_13, %mul3A_15 : i32
      "tpu.region"() ({
        %run_scoped3A = tpu.sem_alloc : memref<!tpu.dma_semaphore, #tpu.memory_space<semaphore_mem>>
        %dma_start3A_201 = arith.constant 0 : i32
        %dma_start3A_202 = tpu.memref_slice %arg2[%add3A_11, %dma_start3A_201] : memref<3328x128xi32, #tpu.memory_space<hbm>> -> memref<8x128xi32, #tpu.memory_space<hbm>>
        %dma_start3A_203 = arith.constant 0 : i32
        %dma_start3A_204 = tpu.memref_slice %arg2[%add3A_11, %dma_start3A_203] : memref<3328x128xi32, #tpu.memory_space<hbm>> -> memref<8x128xi32, #tpu.memory_space<hbm>>
        tpu.enqueue_dma source(%dma_start3A_204 : memref<8x128xi32, #tpu.memory_space<hbm>>) target(%arg7 : memref<8x128xi32, #tpu.memory_space<vmem>>) target_semaphore(%run_scoped3A : memref<!tpu.dma_semaphore, #tpu.memory_space<semaphore_mem>>)
        %dma_wait3A_205 = arith.constant 0 : i32
        %dma_wait3A_206 = tpu.memref_slice %arg2[%add3A_11, %dma_wait3A_205] : memref<3328x128xi32, #tpu.memory_space<hbm>> -> memref<8x128xi32, #tpu.memory_space<hbm>>
        %dma_wait3A_207 = arith.constant 0 : i32
        %dma_wait3A_208 = tpu.memref_slice %arg2[%add3A_11, %dma_wait3A_207] : memref<3328x128xi32, #tpu.memory_space<hbm>> -> memref<8x128xi32, #tpu.memory_space<hbm>>
        tpu.wait_dma2 semaphore(%run_scoped3A : memref<!tpu.dma_semaphore, #tpu.memory_space<semaphore_mem>>) src(%dma_wait3A_208 : memref<8x128xi32, #tpu.memory_space<hbm>>) dst(%arg7 : memref<8x128xi32, #tpu.memory_space<vmem>>)
        tpu.yield
      }) : () -> ()
      %dma_start3A = arith.constant 0 : i32
      %dma_start3A_17 = arith.constant 0 : i32
      %dma_start3A_18 = arith.constant 0 : i32
      %dma_start3A_19 = tpu.memref_slice %arg8[%dma_start3A_17, %dma_start3A_18] : memref<1024x16xf32, #tpu.memory_space<vmem>> -> memref<128x16xf32, #tpu.memory_space<vmem>>
      %dma_start3A_20 = arith.constant 0 : i32
      %dma_start3A_21 = tpu.memref_slice %arg7[%dma_start3A, %dma_start3A_20] : memref<8x128xi32, #tpu.memory_space<vmem>> -> memref<1x128xi32, #tpu.memory_space<vmem>>
      %dma_start3A_22 = tpu.memref_squeeze %dma_start3A_21 : memref<1x128xi32, #tpu.memory_space<vmem>> -> memref<128xi32, #tpu.memory_space<vmem>>
      %dma_start3A_23 = arith.constant 0 : i32
      %dma_start3A_24 = arith.constant 0 : i32
      %dma_start3A_25 = tpu.memref_slice %arg3[%dma_start3A_23, %dma_start3A_24] : memref<2600000x16xf32, #tpu.memory_space<hbm>> -> memref<2600000x16xf32, #tpu.memory_space<hbm>>
      tpu.enqueue_indirect_dma source(%dma_start3A_25 : memref<2600000x16xf32, #tpu.memory_space<hbm>>) target(%dma_start3A_19 : memref<128x16xf32, #tpu.memory_space<vmem>>) offsets(%dma_start3A_22 : memref<128xi32, #tpu.memory_space<vmem>>) semaphore(%arg10 : memref<!tpu.dma_semaphore, #tpu.memory_space<semaphore_mem>>)
      %dma_start3A_26 = arith.constant 0 : i32
      %dma_start3A_27 = arith.constant 0 : i32
      %dma_start3A_28 = arith.constant 0 : i32
      %dma_start3A_29 = tpu.memref_slice %arg9[%dma_start3A_28] : memref<1024xf32, #tpu.memory_space<vmem>> -> memref<128xf32, #tpu.memory_space<vmem>>
      %dma_start3A_30 = arith.constant 0 : i32
      %dma_start3A_31 = tpu.memref_slice %arg7[%dma_start3A_27, %dma_start3A_30] : memref<8x128xi32, #tpu.memory_space<vmem>> -> memref<1x128xi32, #tpu.memory_space<vmem>>
      %dma_start3A_32 = tpu.memref_squeeze %dma_start3A_31 : memref<1x128xi32, #tpu.memory_space<vmem>> -> memref<128xi32, #tpu.memory_space<vmem>>
      %dma_start3A_33 = arith.constant 0 : i32
      %dma_start3A_34 = tpu.memref_slice %arg4[%dma_start3A_26, %dma_start3A_33] : memref<1x2600000xf32, #tpu.memory_space<hbm>> -> memref<1x2600000xf32, #tpu.memory_space<hbm>>
      %dma_start3A_35 = tpu.memref_squeeze %dma_start3A_34 : memref<1x2600000xf32, #tpu.memory_space<hbm>> -> memref<2600000xf32, #tpu.memory_space<hbm>>
      %dma_start3A_36 = arith.constant 0 : i32
      %dma_start3A_37 = tpu.memref_slice %dma_start3A_35[%dma_start3A_36] : memref<2600000xf32, #tpu.memory_space<hbm>> -> memref<2600000xf32, #tpu.memory_space<hbm>>
      tpu.enqueue_indirect_dma source(%dma_start3A_37 : memref<2600000xf32, #tpu.memory_space<hbm>>) target(%dma_start3A_29 : memref<128xf32, #tpu.memory_space<vmem>>) offsets(%dma_start3A_32 : memref<128xi32, #tpu.memory_space<vmem>>) semaphore(%arg10 : memref<!tpu.dma_semaphore, #tpu.memory_space<semaphore_mem>>)
      %dma_start3A_38 = arith.constant 1 : i32
      %dma_start3A_39 = arith.constant 128 : i32
      %dma_start3A_40 = arith.constant 0 : i32
      %dma_start3A_41 = tpu.memref_slice %arg8[%dma_start3A_39, %dma_start3A_40] : memref<1024x16xf32, #tpu.memory_space<vmem>> -> memref<128x16xf32, #tpu.memory_space<vmem>>
      %dma_start3A_42 = arith.constant 0 : i32
      %dma_start3A_43 = tpu.memref_slice %arg7[%dma_start3A_38, %dma_start3A_42] : memref<8x128xi32, #tpu.memory_space<vmem>> -> memref<1x128xi32, #tpu.memory_space<vmem>>
      %dma_start3A_44 = tpu.memref_squeeze %dma_start3A_43 : memref<1x128xi32, #tpu.memory_space<vmem>> -> memref<128xi32, #tpu.memory_space<vmem>>
      %dma_start3A_45 = arith.constant 0 : i32
      %dma_start3A_46 = arith.constant 0 : i32
      %dma_start3A_47 = tpu.memref_slice %arg3[%dma_start3A_45, %dma_start3A_46] : memref<2600000x16xf32, #tpu.memory_space<hbm>> -> memref<2600000x16xf32, #tpu.memory_space<hbm>>
      tpu.enqueue_indirect_dma source(%dma_start3A_47 : memref<2600000x16xf32, #tpu.memory_space<hbm>>) target(%dma_start3A_41 : memref<128x16xf32, #tpu.memory_space<vmem>>) offsets(%dma_start3A_44 : memref<128xi32, #tpu.memory_space<vmem>>) semaphore(%arg10 : memref<!tpu.dma_semaphore, #tpu.memory_space<semaphore_mem>>)
      %dma_start3A_48 = arith.constant 0 : i32
      %dma_start3A_49 = arith.constant 1 : i32
      %dma_start3A_50 = arith.constant 128 : i32
      %dma_start3A_51 = tpu.memref_slice %arg9[%dma_start3A_50] : memref<1024xf32, #tpu.memory_space<vmem>> -> memref<128xf32, #tpu.memory_space<vmem>>
      %dma_start3A_52 = arith.constant 0 : i32
      %dma_start3A_53 = tpu.memref_slice %arg7[%dma_start3A_49, %dma_start3A_52] : memref<8x128xi32, #tpu.memory_space<vmem>> -> memref<1x128xi32, #tpu.memory_space<vmem>>
      %dma_start3A_54 = tpu.memref_squeeze %dma_start3A_53 : memref<1x128xi32, #tpu.memory_space<vmem>> -> memref<128xi32, #tpu.memory_space<vmem>>
      %dma_start3A_55 = arith.constant 0 : i32
      %dma_start3A_56 = tpu.memref_slice %arg4[%dma_start3A_48, %dma_start3A_55] : memref<1x2600000xf32, #tpu.memory_space<hbm>> -> memref<1x2600000xf32, #tpu.memory_space<hbm>>
      %dma_start3A_57 = tpu.memref_squeeze %dma_start3A_56 : memref<1x2600000xf32, #tpu.memory_space<hbm>> -> memref<2600000xf32, #tpu.memory_space<hbm>>
      %dma_start3A_58 = arith.constant 0 : i32
      %dma_start3A_59 = tpu.memref_slice %dma_start3A_57[%dma_start3A_58] : memref<2600000xf32, #tpu.memory_space<hbm>> -> memref<2600000xf32, #tpu.memory_space<hbm>>
      tpu.enqueue_indirect_dma source(%dma_start3A_59 : memref<2600000xf32, #tpu.memory_space<hbm>>) target(%dma_start3A_51 : memref<128xf32, #tpu.memory_space<vmem>>) offsets(%dma_start3A_54 : memref<128xi32, #tpu.memory_space<vmem>>) semaphore(%arg10 : memref<!tpu.dma_semaphore, #tpu.memory_space<semaphore_mem>>)
      %dma_start3A_60 = arith.constant 2 : i32
      %dma_start3A_61 = arith.constant 256 : i32
      %dma_start3A_62 = arith.constant 0 : i32
      %dma_start3A_63 = tpu.memref_slice %arg8[%dma_start3A_61, %dma_start3A_62] : memref<1024x16xf32, #tpu.memory_space<vmem>> -> memref<128x16xf32, #tpu.memory_space<vmem>>
      %dma_start3A_64 = arith.constant 0 : i32
      %dma_start3A_65 = tpu.memref_slice %arg7[%dma_start3A_60, %dma_start3A_64] : memref<8x128xi32, #tpu.memory_space<vmem>> -> memref<1x128xi32, #tpu.memory_space<vmem>>
      %dma_start3A_66 = tpu.memref_squeeze %dma_start3A_65 : memref<1x128xi32, #tpu.memory_space<vmem>> -> memref<128xi32, #tpu.memory_space<vmem>>
      %dma_start3A_67 = arith.constant 0 : i32
      %dma_start3A_68 = arith.constant 0 : i32
      %dma_start3A_69 = tpu.memref_slice %arg3[%dma_start3A_67, %dma_start3A_68] : memref<2600000x16xf32, #tpu.memory_space<hbm>> -> memref<2600000x16xf32, #tpu.memory_space<hbm>>
      tpu.enqueue_indirect_dma source(%dma_start3A_69 : memref<2600000x16xf32, #tpu.memory_space<hbm>>) target(%dma_start3A_63 : memref<128x16xf32, #tpu.memory_space<vmem>>) offsets(%dma_start3A_66 : memref<128xi32, #tpu.memory_space<vmem>>) semaphore(%arg10 : memref<!tpu.dma_semaphore, #tpu.memory_space<semaphore_mem>>)
      %dma_start3A_70 = arith.constant 0 : i32
      %dma_start3A_71 = arith.constant 2 : i32
      %dma_start3A_72 = arith.constant 256 : i32
      %dma_start3A_73 = tpu.memref_slice %arg9[%dma_start3A_72] : memref<1024xf32, #tpu.memory_space<vmem>> -> memref<128xf32, #tpu.memory_space<vmem>>
      %dma_start3A_74 = arith.constant 0 : i32
      %dma_start3A_75 = tpu.memref_slice %arg7[%dma_start3A_71, %dma_start3A_74] : memref<8x128xi32, #tpu.memory_space<vmem>> -> memref<1x128xi32, #tpu.memory_space<vmem>>
      %dma_start3A_76 = tpu.memref_squeeze %dma_start3A_75 : memref<1x128xi32, #tpu.memory_space<vmem>> -> memref<128xi32, #tpu.memory_space<vmem>>
      %dma_start3A_77 = arith.constant 0 : i32
      %dma_start3A_78 = tpu.memref_slice %arg4[%dma_start3A_70, %dma_start3A_77] : memref<1x2600000xf32, #tpu.memory_space<hbm>> -> memref<1x2600000xf32, #tpu.memory_space<hbm>>
      %dma_start3A_79 = tpu.memref_squeeze %dma_start3A_78 : memref<1x2600000xf32, #tpu.memory_space<hbm>> -> memref<2600000xf32, #tpu.memory_space<hbm>>
      %dma_start3A_80 = arith.constant 0 : i32
      %dma_start3A_81 = tpu.memref_slice %dma_start3A_79[%dma_start3A_80] : memref<2600000xf32, #tpu.memory_space<hbm>> -> memref<2600000xf32, #tpu.memory_space<hbm>>
      tpu.enqueue_indirect_dma source(%dma_start3A_81 : memref<2600000xf32, #tpu.memory_space<hbm>>) target(%dma_start3A_73 : memref<128xf32, #tpu.memory_space<vmem>>) offsets(%dma_start3A_76 : memref<128xi32, #tpu.memory_space<vmem>>) semaphore(%arg10 : memref<!tpu.dma_semaphore, #tpu.memory_space<semaphore_mem>>)
      %dma_start3A_82 = arith.constant 3 : i32
      %dma_start3A_83 = arith.constant 384 : i32
      %dma_start3A_84 = arith.constant 0 : i32
      %dma_start3A_85 = tpu.memref_slice %arg8[%dma_start3A_83, %dma_start3A_84] : memref<1024x16xf32, #tpu.memory_space<vmem>> -> memref<128x16xf32, #tpu.memory_space<vmem>>
      %dma_start3A_86 = arith.constant 0 : i32
      %dma_start3A_87 = tpu.memref_slice %arg7[%dma_start3A_82, %dma_start3A_86] : memref<8x128xi32, #tpu.memory_space<vmem>> -> memref<1x128xi32, #tpu.memory_space<vmem>>
      %dma_start3A_88 = tpu.memref_squeeze %dma_start3A_87 : memref<1x128xi32, #tpu.memory_space<vmem>> -> memref<128xi32, #tpu.memory_space<vmem>>
      %dma_start3A_89 = arith.constant 0 : i32
      %dma_start3A_90 = arith.constant 0 : i32
      %dma_start3A_91 = tpu.memref_slice %arg3[%dma_start3A_89, %dma_start3A_90] : memref<2600000x16xf32, #tpu.memory_space<hbm>> -> memref<2600000x16xf32, #tpu.memory_space<hbm>>
      tpu.enqueue_indirect_dma source(%dma_start3A_91 : memref<2600000x16xf32, #tpu.memory_space<hbm>>) target(%dma_start3A_85 : memref<128x16xf32, #tpu.memory_space<vmem>>) offsets(%dma_start3A_88 : memref<128xi32, #tpu.memory_space<vmem>>) semaphore(%arg10 : memref<!tpu.dma_semaphore, #tpu.memory_space<semaphore_mem>>)
      %dma_start3A_92 = arith.constant 0 : i32
      %dma_start3A_93 = arith.constant 3 : i32
      %dma_start3A_94 = arith.constant 384 : i32
      %dma_start3A_95 = tpu.memref_slice %arg9[%dma_start3A_94] : memref<1024xf32, #tpu.memory_space<vmem>> -> memref<128xf32, #tpu.memory_space<vmem>>
      %dma_start3A_96 = arith.constant 0 : i32
      %dma_start3A_97 = tpu.memref_slice %arg7[%dma_start3A_93, %dma_start3A_96] : memref<8x128xi32, #tpu.memory_space<vmem>> -> memref<1x128xi32, #tpu.memory_space<vmem>>
      %dma_start3A_98 = tpu.memref_squeeze %dma_start3A_97 : memref<1x128xi32, #tpu.memory_space<vmem>> -> memref<128xi32, #tpu.memory_space<vmem>>
      %dma_start3A_99 = arith.constant 0 : i32
      %dma_start3A_100 = tpu.memref_slice %arg4[%dma_start3A_92, %dma_start3A_99] : memref<1x2600000xf32, #tpu.memory_space<hbm>> -> memref<1x2600000xf32, #tpu.memory_space<hbm>>
      %dma_start3A_101 = tpu.memref_squeeze %dma_start3A_100 : memref<1x2600000xf32, #tpu.memory_space<hbm>> -> memref<2600000xf32, #tpu.memory_space<hbm>>
      %dma_start3A_102 = arith.constant 0 : i32
      %dma_start3A_103 = tpu.memref_slice %dma_start3A_101[%dma_start3A_102] : memref<2600000xf32, #tpu.memory_space<hbm>> -> memref<2600000xf32, #tpu.memory_space<hbm>>
      tpu.enqueue_indirect_dma source(%dma_start3A_103 : memref<2600000xf32, #tpu.memory_space<hbm>>) target(%dma_start3A_95 : memref<128xf32, #tpu.memory_space<vmem>>) offsets(%dma_start3A_98 : memref<128xi32, #tpu.memory_space<vmem>>) semaphore(%arg10 : memref<!tpu.dma_semaphore, #tpu.memory_space<semaphore_mem>>)
      %dma_start3A_104 = arith.constant 4 : i32
      %dma_start3A_105 = arith.constant 512 : i32
      %dma_start3A_106 = arith.constant 0 : i32
      %dma_start3A_107 = tpu.memref_slice %arg8[%dma_start3A_105, %dma_start3A_106] : memref<1024x16xf32, #tpu.memory_space<vmem>> -> memref<128x16xf32, #tpu.memory_space<vmem>>
      %dma_start3A_108 = arith.constant 0 : i32
      %dma_start3A_109 = tpu.memref_slice %arg7[%dma_start3A_104, %dma_start3A_108] : memref<8x128xi32, #tpu.memory_space<vmem>> -> memref<1x128xi32, #tpu.memory_space<vmem>>
      %dma_start3A_110 = tpu.memref_squeeze %dma_start3A_109 : memref<1x128xi32, #tpu.memory_space<vmem>> -> memref<128xi32, #tpu.memory_space<vmem>>
      %dma_start3A_111 = arith.constant 0 : i32
      %dma_start3A_112 = arith.constant 0 : i32
      %dma_start3A_113 = tpu.memref_slice %arg3[%dma_start3A_111, %dma_start3A_112] : memref<2600000x16xf32, #tpu.memory_space<hbm>> -> memref<2600000x16xf32, #tpu.memory_space<hbm>>
      tpu.enqueue_indirect_dma source(%dma_start3A_113 : memref<2600000x16xf32, #tpu.memory_space<hbm>>) target(%dma_start3A_107 : memref<128x16xf32, #tpu.memory_space<vmem>>) offsets(%dma_start3A_110 : memref<128xi32, #tpu.memory_space<vmem>>) semaphore(%arg10 : memref<!tpu.dma_semaphore, #tpu.memory_space<semaphore_mem>>)
      %dma_start3A_114 = arith.constant 0 : i32
      %dma_start3A_115 = arith.constant 4 : i32
      %dma_start3A_116 = arith.constant 512 : i32
      %dma_start3A_117 = tpu.memref_slice %arg9[%dma_start3A_116] : memref<1024xf32, #tpu.memory_space<vmem>> -> memref<128xf32, #tpu.memory_space<vmem>>
      %dma_start3A_118 = arith.constant 0 : i32
      %dma_start3A_119 = tpu.memref_slice %arg7[%dma_start3A_115, %dma_start3A_118] : memref<8x128xi32, #tpu.memory_space<vmem>> -> memref<1x128xi32, #tpu.memory_space<vmem>>
      %dma_start3A_120 = tpu.memref_squeeze %dma_start3A_119 : memref<1x128xi32, #tpu.memory_space<vmem>> -> memref<128xi32, #tpu.memory_space<vmem>>
      %dma_start3A_121 = arith.constant 0 : i32
      %dma_start3A_122 = tpu.memref_slice %arg4[%dma_start3A_114, %dma_start3A_121] : memref<1x2600000xf32, #tpu.memory_space<hbm>> -> memref<1x2600000xf32, #tpu.memory_space<hbm>>
      %dma_start3A_123 = tpu.memref_squeeze %dma_start3A_122 : memref<1x2600000xf32, #tpu.memory_space<hbm>> -> memref<2600000xf32, #tpu.memory_space<hbm>>
      %dma_start3A_124 = arith.constant 0 : i32
      %dma_start3A_125 = tpu.memref_slice %dma_start3A_123[%dma_start3A_124] : memref<2600000xf32, #tpu.memory_space<hbm>> -> memref<2600000xf32, #tpu.memory_space<hbm>>
      tpu.enqueue_indirect_dma source(%dma_start3A_125 : memref<2600000xf32, #tpu.memory_space<hbm>>) target(%dma_start3A_117 : memref<128xf32, #tpu.memory_space<vmem>>) offsets(%dma_start3A_120 : memref<128xi32, #tpu.memory_space<vmem>>) semaphore(%arg10 : memref<!tpu.dma_semaphore, #tpu.memory_space<semaphore_mem>>)
      %dma_start3A_126 = arith.constant 5 : i32
      %dma_start3A_127 = arith.constant 640 : i32
      %dma_start3A_128 = arith.constant 0 : i32
      %dma_start3A_129 = tpu.memref_slice %arg8[%dma_start3A_127, %dma_start3A_128] : memref<1024x16xf32, #tpu.memory_space<vmem>> -> memref<128x16xf32, #tpu.memory_space<vmem>>
      %dma_start3A_130 = arith.constant 0 : i32
      %dma_start3A_131 = tpu.memref_slice %arg7[%dma_start3A_126, %dma_start3A_130] : memref<8x128xi32, #tpu.memory_space<vmem>> -> memref<1x128xi32, #tpu.memory_space<vmem>>
      %dma_start3A_132 = tpu.memref_squeeze %dma_start3A_131 : memref<1x128xi32, #tpu.memory_space<vmem>> -> memref<128xi32, #tpu.memory_space<vmem>>
      %dma_start3A_133 = arith.constant 0 : i32
      %dma_start3A_134 = arith.constant 0 : i32
      %dma_start3A_135 = tpu.memref_slice %arg3[%dma_start3A_133, %dma_start3A_134] : memref<2600000x16xf32, #tpu.memory_space<hbm>> -> memref<2600000x16xf32, #tpu.memory_space<hbm>>
      tpu.enqueue_indirect_dma source(%dma_start3A_135 : memref<2600000x16xf32, #tpu.memory_space<hbm>>) target(%dma_start3A_129 : memref<128x16xf32, #tpu.memory_space<vmem>>) offsets(%dma_start3A_132 : memref<128xi32, #tpu.memory_space<vmem>>) semaphore(%arg10 : memref<!tpu.dma_semaphore, #tpu.memory_space<semaphore_mem>>)
      %dma_start3A_136 = arith.constant 0 : i32
      %dma_start3A_137 = arith.constant 5 : i32
      %dma_start3A_138 = arith.constant 640 : i32
      %dma_start3A_139 = tpu.memref_slice %arg9[%dma_start3A_138] : memref<1024xf32, #tpu.memory_space<vmem>> -> memref<128xf32, #tpu.memory_space<vmem>>
      %dma_start3A_140 = arith.constant 0 : i32
      %dma_start3A_141 = tpu.memref_slice %arg7[%dma_start3A_137, %dma_start3A_140] : memref<8x128xi32, #tpu.memory_space<vmem>> -> memref<1x128xi32, #tpu.memory_space<vmem>>
      %dma_start3A_142 = tpu.memref_squeeze %dma_start3A_141 : memref<1x128xi32, #tpu.memory_space<vmem>> -> memref<128xi32, #tpu.memory_space<vmem>>
      %dma_start3A_143 = arith.constant 0 : i32
      %dma_start3A_144 = tpu.memref_slice %arg4[%dma_start3A_136, %dma_start3A_143] : memref<1x2600000xf32, #tpu.memory_space<hbm>> -> memref<1x2600000xf32, #tpu.memory_space<hbm>>
      %dma_start3A_145 = tpu.memref_squeeze %dma_start3A_144 : memref<1x2600000xf32, #tpu.memory_space<hbm>> -> memref<2600000xf32, #tpu.memory_space<hbm>>
      %dma_start3A_146 = arith.constant 0 : i32
      %dma_start3A_147 = tpu.memref_slice %dma_start3A_145[%dma_start3A_146] : memref<2600000xf32, #tpu.memory_space<hbm>> -> memref<2600000xf32, #tpu.memory_space<hbm>>
      tpu.enqueue_indirect_dma source(%dma_start3A_147 : memref<2600000xf32, #tpu.memory_space<hbm>>) target(%dma_start3A_139 : memref<128xf32, #tpu.memory_space<vmem>>) offsets(%dma_start3A_142 : memref<128xi32, #tpu.memory_space<vmem>>) semaphore(%arg10 : memref<!tpu.dma_semaphore, #tpu.memory_space<semaphore_mem>>)
      %dma_start3A_148 = arith.constant 6 : i32
      %dma_start3A_149 = arith.constant 768 : i32
      %dma_start3A_150 = arith.constant 0 : i32
      %dma_start3A_151 = tpu.memref_slice %arg8[%dma_start3A_149, %dma_start3A_150] : memref<1024x16xf32, #tpu.memory_space<vmem>> -> memref<128x16xf32, #tpu.memory_space<vmem>>
      %dma_start3A_152 = arith.constant 0 : i32
      %dma_start3A_153 = tpu.memref_slice %arg7[%dma_start3A_148, %dma_start3A_152] : memref<8x128xi32, #tpu.memory_space<vmem>> -> memref<1x128xi32, #tpu.memory_space<vmem>>
      %dma_start3A_154 = tpu.memref_squeeze %dma_start3A_153 : memref<1x128xi32, #tpu.memory_space<vmem>> -> memref<128xi32, #tpu.memory_space<vmem>>
      %dma_start3A_155 = arith.constant 0 : i32
      %dma_start3A_156 = arith.constant 0 : i32
      %dma_start3A_157 = tpu.memref_slice %arg3[%dma_start3A_155, %dma_start3A_156] : memref<2600000x16xf32, #tpu.memory_space<hbm>> -> memref<2600000x16xf32, #tpu.memory_space<hbm>>
      tpu.enqueue_indirect_dma source(%dma_start3A_157 : memref<2600000x16xf32, #tpu.memory_space<hbm>>) target(%dma_start3A_151 : memref<128x16xf32, #tpu.memory_space<vmem>>) offsets(%dma_start3A_154 : memref<128xi32, #tpu.memory_space<vmem>>) semaphore(%arg10 : memref<!tpu.dma_semaphore, #tpu.memory_space<semaphore_mem>>)
      %dma_start3A_158 = arith.constant 0 : i32
      %dma_start3A_159 = arith.constant 6 : i32
      %dma_start3A_160 = arith.constant 768 : i32
      %dma_start3A_161 = tpu.memref_slice %arg9[%dma_start3A_160] : memref<1024xf32, #tpu.memory_space<vmem>> -> memref<128xf32, #tpu.memory_space<vmem>>
      %dma_start3A_162 = arith.constant 0 : i32
      %dma_start3A_163 = tpu.memref_slice %arg7[%dma_start3A_159, %dma_start3A_162] : memref<8x128xi32, #tpu.memory_space<vmem>> -> memref<1x128xi32, #tpu.memory_space<vmem>>
      %dma_start3A_164 = tpu.memref_squeeze %dma_start3A_163 : memref<1x128xi32, #tpu.memory_space<vmem>> -> memref<128xi32, #tpu.memory_space<vmem>>
      %dma_start3A_165 = arith.constant 0 : i32
      %dma_start3A_166 = tpu.memref_slice %arg4[%dma_start3A_158, %dma_start3A_165] : memref<1x2600000xf32, #tpu.memory_space<hbm>> -> memref<1x2600000xf32, #tpu.memory_space<hbm>>
      %dma_start3A_167 = tpu.memref_squeeze %dma_start3A_166 : memref<1x2600000xf32, #tpu.memory_space<hbm>> -> memref<2600000xf32, #tpu.memory_space<hbm>>
      %dma_start3A_168 = arith.constant 0 : i32
      %dma_start3A_169 = tpu.memref_slice %dma_start3A_167[%dma_start3A_168] : memref<2600000xf32, #tpu.memory_space<hbm>> -> memref<2600000xf32, #tpu.memory_space<hbm>>
      tpu.enqueue_indirect_dma source(%dma_start3A_169 : memref<2600000xf32, #tpu.memory_space<hbm>>) target(%dma_start3A_161 : memref<128xf32, #tpu.memory_space<vmem>>) offsets(%dma_start3A_164 : memref<128xi32, #tpu.memory_space<vmem>>) semaphore(%arg10 : memref<!tpu.dma_semaphore, #tpu.memory_space<semaphore_mem>>)
      %dma_start3A_170 = arith.constant 7 : i32
      %dma_start3A_171 = arith.constant 896 : i32
      %dma_start3A_172 = arith.constant 0 : i32
      %dma_start3A_173 = tpu.memref_slice %arg8[%dma_start3A_171, %dma_start3A_172] : memref<1024x16xf32, #tpu.memory_space<vmem>> -> memref<128x16xf32, #tpu.memory_space<vmem>>
      %dma_start3A_174 = arith.constant 0 : i32
      %dma_start3A_175 = tpu.memref_slice %arg7[%dma_start3A_170, %dma_start3A_174] : memref<8x128xi32, #tpu.memory_space<vmem>> -> memref<1x128xi32, #tpu.memory_space<vmem>>
      %dma_start3A_176 = tpu.memref_squeeze %dma_start3A_175 : memref<1x128xi32, #tpu.memory_space<vmem>> -> memref<128xi32, #tpu.memory_space<vmem>>
      %dma_start3A_177 = arith.constant 0 : i32
      %dma_start3A_178 = arith.constant 0 : i32
      %dma_start3A_179 = tpu.memref_slice %arg3[%dma_start3A_177, %dma_start3A_178] : memref<2600000x16xf32, #tpu.memory_space<hbm>> -> memref<2600000x16xf32, #tpu.memory_space<hbm>>
      tpu.enqueue_indirect_dma source(%dma_start3A_179 : memref<2600000x16xf32, #tpu.memory_space<hbm>>) target(%dma_start3A_173 : memref<128x16xf32, #tpu.memory_space<vmem>>) offsets(%dma_start3A_176 : memref<128xi32, #tpu.memory_space<vmem>>) semaphore(%arg10 : memref<!tpu.dma_semaphore, #tpu.memory_space<semaphore_mem>>)
      %dma_start3A_180 = arith.constant 0 : i32
      %dma_start3A_181 = arith.constant 7 : i32
      %dma_start3A_182 = arith.constant 896 : i32
      %dma_start3A_183 = tpu.memref_slice %arg9[%dma_start3A_182] : memref<1024xf32, #tpu.memory_space<vmem>> -> memref<128xf32, #tpu.memory_space<vmem>>
      %dma_start3A_184 = arith.constant 0 : i32
      %dma_start3A_185 = tpu.memref_slice %arg7[%dma_start3A_181, %dma_start3A_184] : memref<8x128xi32, #tpu.memory_space<vmem>> -> memref<1x128xi32, #tpu.memory_space<vmem>>
      %dma_start3A_186 = tpu.memref_squeeze %dma_start3A_185 : memref<1x128xi32, #tpu.memory_space<vmem>> -> memref<128xi32, #tpu.memory_space<vmem>>
      %dma_start3A_187 = arith.constant 0 : i32
      %dma_start3A_188 = tpu.memref_slice %arg4[%dma_start3A_180, %dma_start3A_187] : memref<1x2600000xf32, #tpu.memory_space<hbm>> -> memref<1x2600000xf32, #tpu.memory_space<hbm>>
      %dma_start3A_189 = tpu.memref_squeeze %dma_start3A_188 : memref<1x2600000xf32, #tpu.memory_space<hbm>> -> memref<2600000xf32, #tpu.memory_space<hbm>>
      %dma_start3A_190 = arith.constant 0 : i32
      %dma_start3A_191 = tpu.memref_slice %dma_start3A_189[%dma_start3A_190] : memref<2600000xf32, #tpu.memory_space<hbm>> -> memref<2600000xf32, #tpu.memory_space<hbm>>
      tpu.enqueue_indirect_dma source(%dma_start3A_191 : memref<2600000xf32, #tpu.memory_space<hbm>>) target(%dma_start3A_183 : memref<128xf32, #tpu.memory_space<vmem>>) offsets(%dma_start3A_186 : memref<128xi32, #tpu.memory_space<vmem>>) semaphore(%arg10 : memref<!tpu.dma_semaphore, #tpu.memory_space<semaphore_mem>>)
      %dma_wait3A = arith.constant 0 : i32
      %dma_wait3A_192 = arith.constant 0 : i32
      %dma_wait3A_193 = tpu.memref_slice %arg5[%dma_wait3A, %dma_wait3A_192] : memref<425984x16xf32, #tpu.memory_space<hbm>> -> memref<1024x16xf32, #tpu.memory_space<hbm>>
      %dma_wait3A_194 = arith.constant 0 : i32
      %dma_wait3A_195 = arith.constant 0 : i32
      %dma_wait3A_196 = tpu.memref_slice %arg5[%dma_wait3A_194, %dma_wait3A_195] : memref<425984x16xf32, #tpu.memory_space<hbm>> -> memref<1024x16xf32, #tpu.memory_space<hbm>>
      tpu.wait_dma2 semaphore(%arg10 : memref<!tpu.dma_semaphore, #tpu.memory_space<semaphore_mem>>) src(%dma_wait3A_196 : memref<1024x16xf32, #tpu.memory_space<hbm>>) dst(%arg8 : memref<1024x16xf32, #tpu.memory_space<vmem>>)
      %dma_wait3A_197 = arith.constant 0 : i32
      %dma_wait3A_198 = tpu.memref_slice %arg6[%dma_wait3A_197] : memref<425984xf32, #tpu.memory_space<hbm>> -> memref<1024xf32, #tpu.memory_space<hbm>>
      %dma_wait3A_199 = arith.constant 0 : i32
      %dma_wait3A_200 = tpu.memref_slice %arg6[%dma_wait3A_199] : memref<425984xf32, #tpu.memory_space<hbm>> -> memref<1024xf32, #tpu.memory_space<hbm>>
      tpu.wait_dma2 semaphore(%arg10 : memref<!tpu.dma_semaphore, #tpu.memory_space<semaphore_mem>>) src(%dma_wait3A_200 : memref<1024xf32, #tpu.memory_space<hbm>>) dst(%arg9 : memref<1024xf32, #tpu.memory_space<vmem>>)
      "tpu.region"() ({
        %run_scoped3A = tpu.sem_alloc : memref<!tpu.dma_semaphore, #tpu.memory_space<semaphore_mem>>
        %dma_start3A_201 = arith.constant 0 : i32
        %dma_start3A_202 = tpu.memref_slice %arg5[%add3A_16, %dma_start3A_201] : memref<425984x16xf32, #tpu.memory_space<hbm>> -> memref<1024x16xf32, #tpu.memory_space<hbm>>
        %dma_start3A_203 = arith.constant 0 : i32
        %dma_start3A_204 = tpu.memref_slice %arg5[%add3A_16, %dma_start3A_203] : memref<425984x16xf32, #tpu.memory_space<hbm>> -> memref<1024x16xf32, #tpu.memory_space<hbm>>
        tpu.enqueue_dma source(%arg8 : memref<1024x16xf32, #tpu.memory_space<vmem>>) target(%dma_start3A_204 : memref<1024x16xf32, #tpu.memory_space<hbm>>) target_semaphore(%run_scoped3A : memref<!tpu.dma_semaphore, #tpu.memory_space<semaphore_mem>>)
        %dma_wait3A_205 = arith.constant 0 : i32
        %dma_wait3A_206 = tpu.memref_slice %arg5[%add3A_16, %dma_wait3A_205] : memref<425984x16xf32, #tpu.memory_space<hbm>> -> memref<1024x16xf32, #tpu.memory_space<hbm>>
        %dma_wait3A_207 = arith.constant 0 : i32
        %dma_wait3A_208 = tpu.memref_slice %arg5[%add3A_16, %dma_wait3A_207] : memref<425984x16xf32, #tpu.memory_space<hbm>> -> memref<1024x16xf32, #tpu.memory_space<hbm>>
        tpu.wait_dma2 semaphore(%run_scoped3A : memref<!tpu.dma_semaphore, #tpu.memory_space<semaphore_mem>>) src(%arg8 : memref<1024x16xf32, #tpu.memory_space<vmem>>) dst(%dma_wait3A_208 : memref<1024x16xf32, #tpu.memory_space<hbm>>)
        tpu.yield
      }) : () -> ()
      "tpu.region"() ({
        %run_scoped3A = tpu.sem_alloc : memref<!tpu.dma_semaphore, #tpu.memory_space<semaphore_mem>>
        %dma_start3A_201 = tpu.memref_slice %arg6[%add3A_16] : memref<425984xf32, #tpu.memory_space<hbm>> -> memref<1024xf32, #tpu.memory_space<hbm>>
        %dma_start3A_202 = tpu.memref_slice %arg6[%add3A_16] : memref<425984xf32, #tpu.memory_space<hbm>> -> memref<1024xf32, #tpu.memory_space<hbm>>
        tpu.enqueue_dma source(%arg9 : memref<1024xf32, #tpu.memory_space<vmem>>) target(%dma_start3A_202 : memref<1024xf32, #tpu.memory_space<hbm>>) target_semaphore(%run_scoped3A : memref<!tpu.dma_semaphore, #tpu.memory_space<semaphore_mem>>)
        %dma_wait3A_203 = tpu.memref_slice %arg6[%add3A_16] : memref<425984xf32, #tpu.memory_space<hbm>> -> memref<1024xf32, #tpu.memory_space<hbm>>
        %dma_wait3A_204 = tpu.memref_slice %arg6[%add3A_16] : memref<425984xf32, #tpu.memory_space<hbm>> -> memref<1024xf32, #tpu.memory_space<hbm>>
        tpu.wait_dma2 semaphore(%run_scoped3A : memref<!tpu.dma_semaphore, #tpu.memory_space<semaphore_mem>>) src(%arg9 : memref<1024xf32, #tpu.memory_space<vmem>>) dst(%dma_wait3A_204 : memref<1024xf32, #tpu.memory_space<hbm>>)
        tpu.yield
      }) : () -> ()
    }
    %scan3A_5 = arith.constant 13 : i32
    return
  }
}

module attributes {stable_mosaic.version = 14 : i64} {
  func.func @_k1_body(%arg0: i32, %arg1: memref<512x416xf32, #tpu.memory_space<vmem>>, %arg2: memref<416x1024xf32, #tpu.memory_space<vmem>>, %arg3: memref<1x1024xf32, #tpu.memory_space<vmem>>, %arg4: memref<1x1024xf32, #tpu.memory_space<vmem>>, %arg5: memref<1x1024xf32, #tpu.memory_space<vmem>>, %arg6: memref<1x1024xf32, #tpu.memory_space<vmem>>, %arg7: memref<1x1024xf32, #tpu.memory_space<vmem>>, %arg8: memref<416x416xf32, #tpu.memory_space<vmem>>, %arg9: memref<1x416xf32, #tpu.memory_space<vmem>>) attributes {dimension_semantics = [#tpu.dimension_semantics<arbitrary>], iteration_bounds = array<i64: 32>, scalar_prefetch = 0 : i64, scratch_operands = 2 : i64, tpu.core_type = #tpu.core_type<tc>, window_params = [{transform_indices = @transform_0, window_bounds = array<i64: 512, 416>}, {pipeline_mode = #tpu.pipeline_mode<synchronous>, transform_indices = @transform_1, window_bounds = array<i64: 416, 1024>}, {pipeline_mode = #tpu.pipeline_mode<synchronous>, transform_indices = @transform_2, window_bounds = array<i64: 1, 1024>}, {pipeline_mode = #tpu.pipeline_mode<synchronous>, transform_indices = @transform_3, window_bounds = array<i64: 1, 1024>}, {pipeline_mode = #tpu.pipeline_mode<synchronous>, transform_indices = @transform_4, window_bounds = array<i64: 1, 1024>}, {pipeline_mode = #tpu.pipeline_mode<synchronous>, transform_indices = @transform_5, window_bounds = array<i64: 1, 1024>}, {pipeline_mode = #tpu.pipeline_mode<synchronous>, transform_indices = @transform_6, window_bounds = array<i64: 1, 1024>}]} {
    %eq3A = arith.constant 0 : i32
    %eq3A_0 = arith.cmpi eq, %arg0, %eq3A : i32
    %convert_element_type3A = arith.extui %eq3A_0 : i1 to i32
    %cond3A = arith.constant 0 : i32
    %cond3A_1 = arith.cmpi ne, %convert_element_type3A, %cond3A : i32
    scf.if %cond3A_1 {
      %broadcast_in_dim3A_23 = arith.constant 0.000000e+00 : f32
      %broadcast_in_dim3A_24 = vector.broadcast %broadcast_in_dim3A_23 : f32 to vector<416x416xf32>
      %swap3A_25 = arith.constant 0 : index
      %swap3A_26 = arith.constant 0 : index
      %swap3A_27 = vector.load %arg8[%swap3A_25, %swap3A_26] : memref<416x416xf32, #tpu.memory_space<vmem>>, vector<416x416xf32>
      tpu.vector_store %arg8[%swap3A_25, %swap3A_26], %broadcast_in_dim3A_24 {strides = array<i32>} : memref<416x416xf32, #tpu.memory_space<vmem>>, vector<416x416xf32>,
      %broadcast_in_dim3A_28 = arith.constant 0.000000e+00 : f32
      %broadcast_in_dim3A_29 = vector.broadcast %broadcast_in_dim3A_28 : f32 to vector<1x416xf32>
      %swap3A_30 = arith.constant 0 : index
      %swap3A_31 = arith.constant 0 : index
      %swap3A_32 = vector.load %arg9[%swap3A_30, %swap3A_31] : memref<1x416xf32, #tpu.memory_space<vmem>>, vector<1x416xf32>
      tpu.vector_store %arg9[%swap3A_30, %swap3A_31], %broadcast_in_dim3A_29 {strides = array<i32>} : memref<1x416xf32, #tpu.memory_space<vmem>>, vector<1x416xf32>,
    } else {
    }
    %get3A = arith.constant 0 : index
    %get3A_2 = arith.constant 0 : index
    %get3A_3 = vector.load %arg1[%get3A, %get3A_2] : memref<512x416xf32, #tpu.memory_space<vmem>>, vector<512x416xf32>
    %get3A_4 = arith.constant 0 : index
    %get3A_5 = arith.constant 0 : index
    %get3A_6 = vector.load %arg8[%get3A_4, %get3A_5] : memref<416x416xf32, #tpu.memory_space<vmem>>, vector<416x416xf32>
    %dot_general3A = arith.constant dense<0.000000e+00> : vector<416x416xf32>
    %dot_general3A_7 = tpu.matmul %get3A_3, %get3A_3, %dot_general3A {dimension_numbers = #tpu.dot_dimension_numbers<[0], [0], [1], [1], [0, 1, 1, 1], [], []>, transpose_lhs_hint = false} : vector<512x416xf32>, vector<512x416xf32>, vector<416x416xf32> -> vector<416x416xf32>
    %add3A = arith.addf %get3A_6, %dot_general3A_7 : vector<416x416xf32>
    %swap3A = arith.constant 0 : index
    %swap3A_8 = arith.constant 0 : index
    %swap3A_9 = vector.load %arg8[%swap3A, %swap3A_8] : memref<416x416xf32, #tpu.memory_space<vmem>>, vector<416x416xf32>
    tpu.vector_store %arg8[%swap3A, %swap3A_8], %add3A {strides = array<i32>} : memref<416x416xf32, #tpu.memory_space<vmem>>, vector<416x416xf32>,
    %get3A_10 = arith.constant 0 : index
    %get3A_11 = arith.constant 0 : index
    %get3A_12 = vector.load %arg9[%get3A_10, %get3A_11] : memref<1x416xf32, #tpu.memory_space<vmem>>, vector<1x416xf32>
    %reduce_sum3A = arith.constant dense<0.000000e+00> : vector<416xf32>
    %reduce_sum3A_13 = vector.multi_reduction <add>, %get3A_3, %reduce_sum3A [0] : vector<512x416xf32> to vector<416xf32>
    %broadcast_in_dim3A = vector.shape_cast %reduce_sum3A_13 : vector<416xf32> to vector<1x416xf32>
    %add3A_14 = arith.addf %get3A_12, %broadcast_in_dim3A : vector<1x416xf32>
    %swap3A_15 = arith.constant 0 : index
    %swap3A_16 = arith.constant 0 : index
    %swap3A_17 = vector.load %arg9[%swap3A_15, %swap3A_16] : memref<1x416xf32, #tpu.memory_space<vmem>>, vector<1x416xf32>
    tpu.vector_store %arg9[%swap3A_15, %swap3A_16], %add3A_14 {strides = array<i32>} : memref<1x416xf32, #tpu.memory_space<vmem>>, vector<1x416xf32>,
    %eq3A_18 = arith.constant 31 : i32
    %eq3A_19 = arith.cmpi eq, %arg0, %eq3A_18 : i32
    %convert_element_type3A_20 = arith.extui %eq3A_19 : i1 to i32
    %cond3A_21 = arith.constant 0 : i32
    %cond3A_22 = arith.cmpi ne, %convert_element_type3A_20, %cond3A_21 : i32
    scf.if %cond3A_22 {
      %get3A_23 = arith.constant 0 : index
      %get3A_24 = arith.constant 0 : index
      %get3A_25 = vector.load %arg8[%get3A_23, %get3A_24] : memref<416x416xf32, #tpu.memory_space<vmem>>, vector<416x416xf32>
      %mul3A = arith.constant 6.10351563E-5 : f32
      %mul3A_26 = vector.broadcast %mul3A : f32 to vector<416x416xf32>
      %mul3A_27 = arith.mulf %get3A_25, %mul3A_26 : vector<416x416xf32>
      %get3A_28 = arith.constant 0 : index
      %get3A_29 = arith.constant 0 : index
      %get3A_30 = vector.load %arg9[%get3A_28, %get3A_29] : memref<1x416xf32, #tpu.memory_space<vmem>>, vector<1x416xf32>
      %mul3A_31 = arith.constant 6.10351563E-5 : f32
      %mul3A_32 = vector.broadcast %mul3A_31 : f32 to vector<1x416xf32>
      %mul3A_33 = arith.mulf %get3A_30, %mul3A_32 : vector<1x416xf32>
      %get3A_34 = arith.constant 0 : index
      %get3A_35 = arith.constant 0 : index
      %get3A_36 = vector.load %arg2[%get3A_34, %get3A_35] : memref<416x1024xf32, #tpu.memory_space<vmem>>, vector<416x1024xf32>
      %get3A_37 = arith.constant 0 : index
      %get3A_38 = arith.constant 0 : index
      %get3A_39 = vector.load %arg3[%get3A_37, %get3A_38] : memref<1x1024xf32, #tpu.memory_space<vmem>>, vector<1x1024xf32>
      %dot_general3A_40 = arith.constant dense<0.000000e+00> : vector<416x1024xf32>
      %dot_general3A_41 = tpu.matmul %mul3A_27, %get3A_36, %dot_general3A_40 {dimension_numbers = #tpu.dot_dimension_numbers<[1], [0], [0], [1], [0, 0, 1, 1], [], []>, transpose_lhs_hint = false} : vector<416x416xf32>, vector<416x1024xf32>, vector<416x1024xf32> -> vector<416x1024xf32>
      %mul3A_42 = arith.mulf %get3A_36, %dot_general3A_41 : vector<416x1024xf32>
      %reduce_sum3A_43 = arith.constant dense<0.000000e+00> : vector<1024xf32>
      %reduce_sum3A_44 = vector.multi_reduction <add>, %mul3A_42, %reduce_sum3A_43 [0] : vector<416x1024xf32> to vector<1024xf32>
      %broadcast_in_dim3A_45 = vector.shape_cast %reduce_sum3A_44 : vector<1024xf32> to vector<1x1024xf32>
      %dot_general3A_46 = arith.constant dense<0.000000e+00> : vector<1x1024xf32>
      %dot_general3A_47 = tpu.matmul %mul3A_33, %get3A_36, %dot_general3A_46 {dimension_numbers = #tpu.dot_dimension_numbers<[1], [0], [0], [1], [0, 0, 1, 1], [], []>, transpose_lhs_hint = false} : vector<1x416xf32>, vector<416x1024xf32>, vector<1x1024xf32> -> vector<1x1024xf32>
      %add3A_48 = arith.addf %dot_general3A_47, %get3A_39 : vector<1x1024xf32>
      %mul3A_49 = arith.constant 2.000000e+00 : f32
      %mul3A_50 = vector.broadcast %mul3A_49 : f32 to vector<1x1024xf32>
      %mul3A_51 = arith.mulf %mul3A_50, %get3A_39 : vector<1x1024xf32>
      %mul3A_52 = arith.mulf %mul3A_51, %dot_general3A_47 : vector<1x1024xf32>
      %add3A_53 = arith.addf %broadcast_in_dim3A_45, %mul3A_52 : vector<1x1024xf32>
      %mul3A_54 = arith.mulf %get3A_39, %get3A_39 : vector<1x1024xf32>
      %add3A_55 = arith.addf %add3A_53, %mul3A_54 : vector<1x1024xf32>
      %mul3A_56 = arith.mulf %add3A_48, %add3A_48 : vector<1x1024xf32>
      %sub3A = arith.subf %add3A_55, %mul3A_56 : vector<1x1024xf32>
      %get3A_57 = arith.constant 0 : index
      %get3A_58 = arith.constant 0 : index
      %get3A_59 = vector.load %arg4[%get3A_57, %get3A_58] : memref<1x1024xf32, #tpu.memory_space<vmem>>, vector<1x1024xf32>
      %add3A_60 = arith.constant 9.99999974E-6 : f32
      %add3A_61 = vector.broadcast %add3A_60 : f32 to vector<1x1024xf32>
      %add3A_62 = arith.addf %sub3A, %add3A_61 : vector<1x1024xf32>
      %rsqrt3A = math.rsqrt %add3A_62 : vector<1x1024xf32>
      %mul3A_63 = arith.mulf %get3A_59, %rsqrt3A : vector<1x1024xf32>
      %swap3A_64 = arith.constant 0 : index
      %swap3A_65 = arith.constant 0 : index
      %swap3A_66 = vector.load %arg6[%swap3A_64, %swap3A_65] : memref<1x1024xf32, #tpu.memory_space<vmem>>, vector<1x1024xf32>
      tpu.vector_store %arg6[%swap3A_64, %swap3A_65], %mul3A_63 {strides = array<i32>} : memref<1x1024xf32, #tpu.memory_space<vmem>>, vector<1x1024xf32>,
      %get3A_67 = arith.constant 0 : index
      %get3A_68 = arith.constant 0 : index
      %get3A_69 = vector.load %arg5[%get3A_67, %get3A_68] : memref<1x1024xf32, #tpu.memory_space<vmem>>, vector<1x1024xf32>
      %mul3A_70 = arith.mulf %add3A_48, %mul3A_63 : vector<1x1024xf32>
      %sub3A_71 = arith.subf %get3A_69, %mul3A_70 : vector<1x1024xf32>
      %swap3A_72 = arith.constant 0 : index
      %swap3A_73 = arith.constant 0 : index
      %swap3A_74 = vector.load %arg7[%swap3A_72, %swap3A_73] : memref<1x1024xf32, #tpu.memory_space<vmem>>, vector<1x1024xf32>
      tpu.vector_store %arg7[%swap3A_72, %swap3A_73], %sub3A_71 {strides = array<i32>} : memref<1x1024xf32, #tpu.memory_space<vmem>>, vector<1x1024xf32>,
    } else {
    }
    return
  }
  func.func @transform_0(%arg0: i32) -> (i32, i32) {
    %c0_i32 = arith.constant 0 : i32
    %c0_i32_0 = arith.constant 0 : i32
    return %arg0, %c0_i32 : i32, i32
  }
  func.func @transform_1(%arg0: i32) -> (i32, i32) {
    %c0_i32 = arith.constant 0 : i32
    %c0_i32_0 = arith.constant 0 : i32
    %c0_i32_1 = arith.constant 0 : i32
    return %c0_i32, %c0_i32_0 : i32, i32
  }
  func.func @transform_2(%arg0: i32) -> (i32, i32) {
    %c0_i32 = arith.constant 0 : i32
    %c0_i32_0 = arith.constant 0 : i32
    %c0_i32_1 = arith.constant 0 : i32
    return %c0_i32, %c0_i32_0 : i32, i32
  }
  func.func @transform_3(%arg0: i32) -> (i32, i32) {
    %c0_i32 = arith.constant 0 : i32
    %c0_i32_0 = arith.constant 0 : i32
    %c0_i32_1 = arith.constant 0 : i32
    return %c0_i32, %c0_i32_0 : i32, i32
  }
  func.func @transform_4(%arg0: i32) -> (i32, i32) {
    %c0_i32 = arith.constant 0 : i32
    %c0_i32_0 = arith.constant 0 : i32
    %c0_i32_1 = arith.constant 0 : i32
    return %c0_i32, %c0_i32_0 : i32, i32
  }
  func.func @transform_5(%arg0: i32) -> (i32, i32) {
    %c0_i32 = arith.constant 0 : i32
    %c0_i32_0 = arith.constant 0 : i32
    %c0_i32_1 = arith.constant 0 : i32
    return %c0_i32, %c0_i32_0 : i32, i32
  }
  func.func @transform_6(%arg0: i32) -> (i32, i32) {
    %c0_i32 = arith.constant 0 : i32
    %c0_i32_0 = arith.constant 0 : i32
    %c0_i32_1 = arith.constant 0 : i32
    return %c0_i32, %c0_i32_0 : i32, i32
  }
}

module attributes {stable_mosaic.version = 14 : i64} {
  func.func @_k2_body(%arg0: i32, %arg1: memref<512x416xf32, #tpu.memory_space<vmem>>, %arg2: memref<512x26xf32, #tpu.memory_space<vmem>>, %arg3: memref<416x1024xf32, #tpu.memory_space<vmem>>, %arg4: memref<1x1024xf32, #tpu.memory_space<vmem>>, %arg5: memref<1x1024xf32, #tpu.memory_space<vmem>>, %arg6: memref<1x1024xf32, #tpu.memory_space<vmem>>, %arg7: memref<1024x512xf32, #tpu.memory_space<vmem>>, %arg8: memref<1x512xf32, #tpu.memory_space<vmem>>, %arg9: memref<1x512xf32, #tpu.memory_space<vmem>>, %arg10: memref<1x512xf32, #tpu.memory_space<vmem>>, %arg11: memref<512x512xf32, #tpu.memory_space<vmem>>, %arg12: memref<512x1xf32, #tpu.memory_space<vmem>>, %arg13: memref<1x512xf32, #tpu.memory_space<vmem>>, %arg14: memref<1x512xf32, #tpu.memory_space<vmem>>, %arg15: memref<1x512xf32, #tpu.memory_space<vmem>>, %arg16: memref<1x512xf32, #tpu.memory_space<vmem>>) attributes {dimension_semantics = [#tpu.dimension_semantics<arbitrary>], iteration_bounds = array<i64: 32>, scalar_prefetch = 0 : i64, scratch_operands = 2 : i64, tpu.core_type = #tpu.core_type<tc>, window_params = [{transform_indices = @transform_0, window_bounds = array<i64: 512, 416>}, {transform_indices = @transform_1, window_bounds = array<i64: 512, 26>}, {pipeline_mode = #tpu.pipeline_mode<synchronous>, transform_indices = @transform_2, window_bounds = array<i64: 416, 1024>}, {pipeline_mode = #tpu.pipeline_mode<synchronous>, transform_indices = @transform_3, window_bounds = array<i64: 1, 1024>}, {pipeline_mode = #tpu.pipeline_mode<synchronous>, transform_indices = @transform_4, window_bounds = array<i64: 1, 1024>}, {pipeline_mode = #tpu.pipeline_mode<synchronous>, transform_indices = @transform_5, window_bounds = array<i64: 1, 1024>}, {pipeline_mode = #tpu.pipeline_mode<synchronous>, transform_indices = @transform_6, window_bounds = array<i64: 1024, 512>}, {pipeline_mode = #tpu.pipeline_mode<synchronous>, transform_indices = @transform_7, window_bounds = array<i64: 1, 512>}, {pipeline_mode = #tpu.pipeline_mode<synchronous>, transform_indices = @transform_8, window_bounds = array<i64: 1, 512>}, {pipeline_mode = #tpu.pipeline_mode<synchronous>, transform_indices = @transform_9, window_bounds = array<i64: 1, 512>}, {transform_indices = @transform_10, window_bounds = array<i64: 512, 512>}, {transform_indices = @transform_11, window_bounds = array<i64: 512, 1>}, {pipeline_mode = #tpu.pipeline_mode<synchronous>, transform_indices = @transform_12, window_bounds = array<i64: 1, 512>}, {pipeline_mode = #tpu.pipeline_mode<synchronous>, transform_indices = @transform_13, window_bounds = array<i64: 1, 512>}]} {
    %eq3A = arith.constant 0 : i32
    %eq3A_0 = arith.cmpi eq, %arg0, %eq3A : i32
    %convert_element_type3A = arith.extui %eq3A_0 : i1 to i32
    %cond3A = arith.constant 0 : i32
    %cond3A_1 = arith.cmpi ne, %convert_element_type3A, %cond3A : i32
    scf.if %cond3A_1 {
      %broadcast_in_dim3A_105 = arith.constant 0.000000e+00 : f32
      %broadcast_in_dim3A_106 = vector.broadcast %broadcast_in_dim3A_105 : f32 to vector<1x512xf32>
      %swap3A_107 = arith.constant 0 : index
      %swap3A_108 = arith.constant 0 : index
      %swap3A_109 = vector.load %arg15[%swap3A_107, %swap3A_108] : memref<1x512xf32, #tpu.memory_space<vmem>>, vector<1x512xf32>
      tpu.vector_store %arg15[%swap3A_107, %swap3A_108], %broadcast_in_dim3A_106 {strides = array<i32>} : memref<1x512xf32, #tpu.memory_space<vmem>>, vector<1x512xf32>,
      %broadcast_in_dim3A_110 = arith.constant 0.000000e+00 : f32
      %broadcast_in_dim3A_111 = vector.broadcast %broadcast_in_dim3A_110 : f32 to vector<1x512xf32>
      %swap3A_112 = arith.constant 0 : index
      %swap3A_113 = arith.constant 0 : index
      %swap3A_114 = vector.load %arg16[%swap3A_112, %swap3A_113] : memref<1x512xf32, #tpu.memory_space<vmem>>, vector<1x512xf32>
      tpu.vector_store %arg16[%swap3A_112, %swap3A_113], %broadcast_in_dim3A_111 {strides = array<i32>} : memref<1x512xf32, #tpu.memory_space<vmem>>, vector<1x512xf32>,
    } else {
    }
    %get3A = arith.constant 0 : index
    %get3A_2 = arith.constant 0 : index
    %get3A_3 = vector.load %arg1[%get3A, %get3A_2] : memref<512x416xf32, #tpu.memory_space<vmem>>, vector<512x416xf32>
    %get3A_4 = arith.constant 0 : index
    %get3A_5 = arith.constant 0 : index
    %get3A_6 = vector.load %arg3[%get3A_4, %get3A_5] : memref<416x1024xf32, #tpu.memory_space<vmem>>, vector<416x1024xf32>
    %dot_general3A = arith.constant dense<0.000000e+00> : vector<512x1024xf32>
    %dot_general3A_7 = tpu.matmul %get3A_3, %get3A_6, %dot_general3A {dimension_numbers = #tpu.dot_dimension_numbers<[1], [0], [0], [1], [0, 0, 1, 1], [], []>, transpose_lhs_hint = false} : vector<512x416xf32>, vector<416x1024xf32>, vector<512x1024xf32> -> vector<512x1024xf32>
    %get3A_8 = arith.constant 0 : index
    %get3A_9 = arith.constant 0 : index
    %get3A_10 = vector.load %arg4[%get3A_8, %get3A_9] : memref<1x1024xf32, #tpu.memory_space<vmem>>, vector<1x1024xf32>
    %add3A = vector.broadcast %get3A_10 : vector<1x1024xf32> to vector<512x1024xf32>
    %add3A_11 = arith.addf %dot_general3A_7, %add3A : vector<512x1024xf32>
    %get3A_12 = arith.constant 0 : index
    %get3A_13 = arith.constant 0 : index
    %get3A_14 = vector.load %arg5[%get3A_12, %get3A_13] : memref<1x1024xf32, #tpu.memory_space<vmem>>, vector<1x1024xf32>
    %mul3A = vector.broadcast %get3A_14 : vector<1x1024xf32> to vector<512x1024xf32>
    %mul3A_15 = arith.mulf %add3A_11, %mul3A : vector<512x1024xf32>
    %get3A_16 = arith.constant 0 : index
    %get3A_17 = arith.constant 0 : index
    %get3A_18 = vector.load %arg6[%get3A_16, %get3A_17] : memref<1x1024xf32, #tpu.memory_space<vmem>>, vector<1x1024xf32>
    %add3A_19 = vector.broadcast %get3A_18 : vector<1x1024xf32> to vector<512x1024xf32>
    %add3A_20 = arith.addf %mul3A_15, %add3A_19 : vector<512x1024xf32>
    %max3A = arith.constant 0.000000e+00 : f32
    %max3A_21 = vector.broadcast %max3A : f32 to vector<512x1024xf32>
    %max3A_22 = arith.maximumf %add3A_20, %max3A_21 : vector<512x1024xf32>
    %get3A_23 = arith.constant 0 : index
    %get3A_24 = arith.constant 0 : index
    %get3A_25 = vector.load %arg7[%get3A_23, %get3A_24] : memref<1024x512xf32, #tpu.memory_space<vmem>>, vector<1024x512xf32>
    %dot_general3A_26 = arith.constant dense<0.000000e+00> : vector<512x512xf32>
    %dot_general3A_27 = tpu.matmul %max3A_22, %get3A_25, %dot_general3A_26 {dimension_numbers = #tpu.dot_dimension_numbers<[1], [0], [0], [1], [0, 0, 1, 1], [], []>, transpose_lhs_hint = false} : vector<512x1024xf32>, vector<1024x512xf32>, vector<512x512xf32> -> vector<512x512xf32>
    %get3A_28 = arith.constant 0 : index
    %get3A_29 = arith.constant 0 : index
    %get3A_30 = vector.load %arg8[%get3A_28, %get3A_29] : memref<1x512xf32, #tpu.memory_space<vmem>>, vector<1x512xf32>
    %add3A_31 = vector.broadcast %get3A_30 : vector<1x512xf32> to vector<512x512xf32>
    %add3A_32 = arith.addf %dot_general3A_27, %add3A_31 : vector<512x512xf32>
    %swap3A = arith.constant 0 : index
    %swap3A_33 = arith.constant 0 : index
    %swap3A_34 = vector.load %arg11[%swap3A, %swap3A_33] : memref<512x512xf32, #tpu.memory_space<vmem>>, vector<512x512xf32>
    tpu.vector_store %arg11[%swap3A, %swap3A_33], %add3A_32 {strides = array<i32>} : memref<512x512xf32, #tpu.memory_space<vmem>>, vector<512x512xf32>,
    %get3A_35 = arith.constant 0 : index
    %get3A_36 = arith.constant 0 : index
    %get3A_37 = vector.load %arg15[%get3A_35, %get3A_36] : memref<1x512xf32, #tpu.memory_space<vmem>>, vector<1x512xf32>
    %reduce_sum3A = arith.constant dense<0.000000e+00> : vector<512xf32>
    %reduce_sum3A_38 = vector.multi_reduction <add>, %add3A_32, %reduce_sum3A [0] : vector<512x512xf32> to vector<512xf32>
    %broadcast_in_dim3A = vector.shape_cast %reduce_sum3A_38 : vector<512xf32> to vector<1x512xf32>
    %add3A_39 = arith.addf %get3A_37, %broadcast_in_dim3A : vector<1x512xf32>
    %swap3A_40 = arith.constant 0 : index
    %swap3A_41 = arith.constant 0 : index
    %swap3A_42 = vector.load %arg15[%swap3A_40, %swap3A_41] : memref<1x512xf32, #tpu.memory_space<vmem>>, vector<1x512xf32>
    tpu.vector_store %arg15[%swap3A_40, %swap3A_41], %add3A_39 {strides = array<i32>} : memref<1x512xf32, #tpu.memory_space<vmem>>, vector<1x512xf32>,
    %get3A_43 = arith.constant 0 : index
    %get3A_44 = arith.constant 0 : index
    %get3A_45 = vector.load %arg16[%get3A_43, %get3A_44] : memref<1x512xf32, #tpu.memory_space<vmem>>, vector<1x512xf32>
    %mul3A_46 = arith.mulf %add3A_32, %add3A_32 : vector<512x512xf32>
    %reduce_sum3A_47 = arith.constant dense<0.000000e+00> : vector<512xf32>
    %reduce_sum3A_48 = vector.multi_reduction <add>, %mul3A_46, %reduce_sum3A_47 [0] : vector<512x512xf32> to vector<512xf32>
    %broadcast_in_dim3A_49 = vector.shape_cast %reduce_sum3A_48 : vector<512xf32> to vector<1x512xf32>
    %add3A_50 = arith.addf %get3A_45, %broadcast_in_dim3A_49 : vector<1x512xf32>
    %swap3A_51 = arith.constant 0 : index
    %swap3A_52 = arith.constant 0 : index
    %swap3A_53 = vector.load %arg16[%swap3A_51, %swap3A_52] : memref<1x512xf32, #tpu.memory_space<vmem>>, vector<1x512xf32>
    tpu.vector_store %arg16[%swap3A_51, %swap3A_52], %add3A_50 {strides = array<i32>} : memref<1x512xf32, #tpu.memory_space<vmem>>, vector<1x512xf32>,
    %iota3A = tpu.iota {dimensions = array<i32: 0>} : vector<416x16xi32>
    %iota3A_54 = tpu.iota {dimensions = array<i32: 1>} : vector<416x16xi32>
    %jit3A = arith.constant 16 : i32
    %eq3A_55 = arith.constant 0 : i32
    %eq3A_56 = arith.cmpi eq, %jit3A, %eq3A_55 : i32
    %jit3A_57 = arith.constant 1 : i32
    %select_n3A = arith.select %eq3A_56, %jit3A_57, %jit3A : i32
    %rem3A = vector.broadcast %select_n3A : i32 to vector<416x16xi32>
    %rem3A_58 = arith.remsi %iota3A, %rem3A : vector<416x16xi32>
    %ne3A = arith.constant 0 : i32
    %ne3A_59 = vector.broadcast %ne3A : i32 to vector<416x16xi32>
    %ne3A_60 = arith.cmpi ne, %rem3A_58, %ne3A_59 : vector<416x16xi32>
    %lt3A = arith.constant 0 : i32
    %lt3A_61 = vector.broadcast %lt3A : i32 to vector<416x16xi32>
    %lt3A_62 = arith.cmpi slt, %rem3A_58, %lt3A_61 : vector<416x16xi32>
    %lt3A_63 = arith.constant 0 : i32
    %lt3A_64 = arith.cmpi slt, %select_n3A, %lt3A_63 : i32
    %ne3A_65 = vector.broadcast %lt3A_64 : i1 to vector<416x16xi1>
    %ne3A_66 = vector.broadcast %ne3A_65 : vector<416x16xi1> to vector<416x16xi1>
    %ne3A_67 = arith.xori %lt3A_62, %ne3A_66 : vector<416x16xi1>
    %and3A = arith.andi %ne3A_67, %ne3A_60 : vector<416x16xi1>
    %add3A_68 = vector.broadcast %select_n3A : i32 to vector<416x16xi32>
    %add3A_69 = arith.addi %rem3A_58, %add3A_68 : vector<416x16xi32>
    %select_n3A_70 = arith.select %and3A, %add3A_69, %rem3A_58 : vector<416x16xi1>, vector<416x16xi32>
    %eq3A_71 = arith.cmpi eq, %select_n3A_70, %iota3A_54 : vector<416x16xi32>
    %jit3A_72 = arith.constant 1.000000e+00 : f32
    %jit3A_73 = arith.constant 0.000000e+00 : f32
    %broadcast_in_dim3A_74 = vector.broadcast %jit3A_72 : f32 to vector<416x16xf32>
    %broadcast_in_dim3A_75 = vector.broadcast %jit3A_73 : f32 to vector<416x16xf32>
    %select_n3A_76 = arith.select %eq3A_71, %broadcast_in_dim3A_74, %broadcast_in_dim3A_75 : vector<416x16xi1>, vector<416x16xf32>
    %dot_general3A_77 = arith.constant dense<0.000000e+00> : vector<512x16xf32>
    %dot_general3A_78 = tpu.matmul %get3A_3, %select_n3A_76, %dot_general3A_77 {dimension_numbers = #tpu.dot_dimension_numbers<[1], [0], [0], [1], [0, 0, 1, 1], [], []>, transpose_lhs_hint = false} : vector<512x416xf32>, vector<416x16xf32>, vector<512x16xf32> -> vector<512x16xf32>
    %mul3A_79 = arith.mulf %get3A_3, %get3A_3 : vector<512x416xf32>
    %dot_general3A_80 = arith.constant dense<0.000000e+00> : vector<512x16xf32>
    %dot_general3A_81 = tpu.matmul %mul3A_79, %select_n3A_76, %dot_general3A_80 {dimension_numbers = #tpu.dot_dimension_numbers<[1], [0], [0], [1], [0, 0, 1, 1], [], []>, transpose_lhs_hint = false} : vector<512x416xf32>, vector<416x16xf32>, vector<512x16xf32> -> vector<512x16xf32>
    %mul3A_82 = arith.mulf %dot_general3A_78, %dot_general3A_78 : vector<512x16xf32>
    %sub3A = arith.subf %mul3A_82, %dot_general3A_81 : vector<512x16xf32>
    %reduce_sum3A_83 = arith.constant dense<0.000000e+00> : vector<512xf32>
    %reduce_sum3A_84 = vector.multi_reduction <add>, %sub3A, %reduce_sum3A_83 [1] : vector<512x16xf32> to vector<512xf32>
    %broadcast_in_dim3A_85 = vector.shape_cast %reduce_sum3A_84 : vector<512xf32> to vector<512x1xf32>
    %mul3A_86 = arith.constant 5.000000e-01 : f32
    %mul3A_87 = vector.broadcast %mul3A_86 : f32 to vector<512x1xf32>
    %mul3A_88 = arith.mulf %mul3A_87, %broadcast_in_dim3A_85 : vector<512x1xf32>
    %get3A_89 = arith.constant 0 : index
    %get3A_90 = arith.constant 0 : index
    %get3A_91 = vector.load %arg2[%get3A_89, %get3A_90] : memref<512x26xf32, #tpu.memory_space<vmem>>, vector<512x26xf32>
    %broadcast_in_dim3A_92 = arith.constant 1.000000e+00 : f32
    %broadcast_in_dim3A_93 = vector.broadcast %broadcast_in_dim3A_92 : f32 to vector<26x1xf32>
    %dot_general3A_94 = arith.constant dense<0.000000e+00> : vector<512x1xf32>
    %dot_general3A_95 = tpu.matmul %get3A_91, %broadcast_in_dim3A_93, %dot_general3A_94 {dimension_numbers = #tpu.dot_dimension_numbers<[1], [0], [0], [1], [0, 0, 1, 1], [], []>, transpose_lhs_hint = false} : vector<512x26xf32>, vector<26x1xf32>, vector<512x1xf32> -> vector<512x1xf32>
    %add3A_96 = arith.addf %dot_general3A_95, %mul3A_88 : vector<512x1xf32>
    %swap3A_97 = arith.constant 0 : index
    %swap3A_98 = arith.constant 0 : index
    %swap3A_99 = vector.load %arg12[%swap3A_97, %swap3A_98] : memref<512x1xf32, #tpu.memory_space<vmem>>, vector<512x1xf32>
    tpu.vector_store %arg12[%swap3A_97, %swap3A_98], %add3A_96 {strides = array<i32>} : memref<512x1xf32, #tpu.memory_space<vmem>>, vector<512x1xf32>,
    %eq3A_100 = arith.constant 31 : i32
    %eq3A_101 = arith.cmpi eq, %arg0, %eq3A_100 : i32
    %convert_element_type3A_102 = arith.extui %eq3A_101 : i1 to i32
    %cond3A_103 = arith.constant 0 : i32
    %cond3A_104 = arith.cmpi ne, %convert_element_type3A_102, %cond3A_103 : i32
    scf.if %cond3A_104 {
      %get3A_105 = arith.constant 0 : index
      %get3A_106 = arith.constant 0 : index
      %get3A_107 = vector.load %arg15[%get3A_105, %get3A_106] : memref<1x512xf32, #tpu.memory_space<vmem>>, vector<1x512xf32>
      %mul3A_108 = arith.constant 6.10351563E-5 : f32
      %mul3A_109 = vector.broadcast %mul3A_108 : f32 to vector<1x512xf32>
      %mul3A_110 = arith.mulf %get3A_107, %mul3A_109 : vector<1x512xf32>
      %get3A_111 = arith.constant 0 : index
      %get3A_112 = arith.constant 0 : index
      %get3A_113 = vector.load %arg16[%get3A_111, %get3A_112] : memref<1x512xf32, #tpu.memory_space<vmem>>, vector<1x512xf32>
      %mul3A_114 = arith.constant 6.10351563E-5 : f32
      %mul3A_115 = vector.broadcast %mul3A_114 : f32 to vector<1x512xf32>
      %mul3A_116 = arith.mulf %get3A_113, %mul3A_115 : vector<1x512xf32>
      %mul3A_117 = arith.mulf %mul3A_110, %mul3A_110 : vector<1x512xf32>
      %sub3A_118 = arith.subf %mul3A_116, %mul3A_117 : vector<1x512xf32>
      %get3A_119 = arith.constant 0 : index
      %get3A_120 = arith.constant 0 : index
      %get3A_121 = vector.load %arg9[%get3A_119, %get3A_120] : memref<1x512xf32, #tpu.memory_space<vmem>>, vector<1x512xf32>
      %add3A_122 = arith.constant 9.99999974E-6 : f32
      %add3A_123 = vector.broadcast %add3A_122 : f32 to vector<1x512xf32>
      %add3A_124 = arith.addf %sub3A_118, %add3A_123 : vector<1x512xf32>
      %rsqrt3A = math.rsqrt %add3A_124 : vector<1x512xf32>
      %mul3A_125 = arith.mulf %get3A_121, %rsqrt3A : vector<1x512xf32>
      %swap3A_126 = arith.constant 0 : index
      %swap3A_127 = arith.constant 0 : index
      %swap3A_128 = vector.load %arg13[%swap3A_126, %swap3A_127] : memref<1x512xf32, #tpu.memory_space<vmem>>, vector<1x512xf32>
      tpu.vector_store %arg13[%swap3A_126, %swap3A_127], %mul3A_125 {strides = array<i32>} : memref<1x512xf32, #tpu.memory_space<vmem>>, vector<1x512xf32>,
      %get3A_129 = arith.constant 0 : index
      %get3A_130 = arith.constant 0 : index
      %get3A_131 = vector.load %arg10[%get3A_129, %get3A_130] : memref<1x512xf32, #tpu.memory_space<vmem>>, vector<1x512xf32>
      %mul3A_132 = arith.mulf %mul3A_110, %mul3A_125 : vector<1x512xf32>
      %sub3A_133 = arith.subf %get3A_131, %mul3A_132 : vector<1x512xf32>
      %swap3A_134 = arith.constant 0 : index
      %swap3A_135 = arith.constant 0 : index
      %swap3A_136 = vector.load %arg14[%swap3A_134, %swap3A_135] : memref<1x512xf32, #tpu.memory_space<vmem>>, vector<1x512xf32>
      tpu.vector_store %arg14[%swap3A_134, %swap3A_135], %sub3A_133 {strides = array<i32>} : memref<1x512xf32, #tpu.memory_space<vmem>>, vector<1x512xf32>,
    } else {
    }
    return
  }
  func.func @transform_0(%arg0: i32) -> (i32, i32) {
    %c0_i32 = arith.constant 0 : i32
    %c0_i32_0 = arith.constant 0 : i32
    return %arg0, %c0_i32 : i32, i32
  }
  func.func @transform_1(%arg0: i32) -> (i32, i32) {
    %c0_i32 = arith.constant 0 : i32
    %c0_i32_0 = arith.constant 0 : i32
    return %arg0, %c0_i32 : i32, i32
  }
  func.func @transform_2(%arg0: i32) -> (i32, i32) {
    %c0_i32 = arith.constant 0 : i32
    %c0_i32_0 = arith.constant 0 : i32
    %c0_i32_1 = arith.constant 0 : i32
    return %c0_i32, %c0_i32_0 : i32, i32
  }
  func.func @transform_3(%arg0: i32) -> (i32, i32) {
    %c0_i32 = arith.constant 0 : i32
    %c0_i32_0 = arith.constant 0 : i32
    %c0_i32_1 = arith.constant 0 : i32
    return %c0_i32, %c0_i32_0 : i32, i32
  }
  func.func @transform_4(%arg0: i32) -> (i32, i32) {
    %c0_i32 = arith.constant 0 : i32
    %c0_i32_0 = arith.constant 0 : i32
    %c0_i32_1 = arith.constant 0 : i32
    return %c0_i32, %c0_i32_0 : i32, i32
  }
  func.func @transform_5(%arg0: i32) -> (i32, i32) {
    %c0_i32 = arith.constant 0 : i32
    %c0_i32_0 = arith.constant 0 : i32
    %c0_i32_1 = arith.constant 0 : i32
    return %c0_i32, %c0_i32_0 : i32, i32
  }
  func.func @transform_6(%arg0: i32) -> (i32, i32) {
    %c0_i32 = arith.constant 0 : i32
    %c0_i32_0 = arith.constant 0 : i32
    %c0_i32_1 = arith.constant 0 : i32
    return %c0_i32, %c0_i32_0 : i32, i32
  }
  func.func @transform_7(%arg0: i32) -> (i32, i32) {
    %c0_i32 = arith.constant 0 : i32
    %c0_i32_0 = arith.constant 0 : i32
    %c0_i32_1 = arith.constant 0 : i32
    return %c0_i32, %c0_i32_0 : i32, i32
  }
  func.func @transform_8(%arg0: i32) -> (i32, i32) {
    %c0_i32 = arith.constant 0 : i32
    %c0_i32_0 = arith.constant 0 : i32
    %c0_i32_1 = arith.constant 0 : i32
    return %c0_i32, %c0_i32_0 : i32, i32
  }
  func.func @transform_9(%arg0: i32) -> (i32, i32) {
    %c0_i32 = arith.constant 0 : i32
    %c0_i32_0 = arith.constant 0 : i32
    %c0_i32_1 = arith.constant 0 : i32
    return %c0_i32, %c0_i32_0 : i32, i32
  }
  func.func @transform_10(%arg0: i32) -> (i32, i32) {
    %c0_i32 = arith.constant 0 : i32
    %c0_i32_0 = arith.constant 0 : i32
    return %arg0, %c0_i32 : i32, i32
  }
  func.func @transform_11(%arg0: i32) -> (i32, i32) {
    %c0_i32 = arith.constant 0 : i32
    %c0_i32_0 = arith.constant 0 : i32
    return %arg0, %c0_i32 : i32, i32
  }
  func.func @transform_12(%arg0: i32) -> (i32, i32) {
    %c0_i32 = arith.constant 0 : i32
    %c0_i32_0 = arith.constant 0 : i32
    %c0_i32_1 = arith.constant 0 : i32
    return %c0_i32, %c0_i32_0 : i32, i32
  }
  func.func @transform_13(%arg0: i32) -> (i32, i32) {
    %c0_i32 = arith.constant 0 : i32
    %c0_i32_0 = arith.constant 0 : i32
    %c0_i32_1 = arith.constant 0 : i32
    return %c0_i32, %c0_i32_0 : i32, i32
  }
}

module attributes {stable_mosaic.version = 14 : i64} {
  func.func @_k3_body(%arg0: i32, %arg1: memref<512x512xf32, #tpu.memory_space<vmem>>, %arg2: memref<512x1xf32, #tpu.memory_space<vmem>>, %arg3: memref<1x512xf32, #tpu.memory_space<vmem>>, %arg4: memref<1x512xf32, #tpu.memory_space<vmem>>, %arg5: memref<512x256xf32, #tpu.memory_space<vmem>>, %arg6: memref<1x256xf32, #tpu.memory_space<vmem>>, %arg7: memref<256x1xf32, #tpu.memory_space<vmem>>, %arg8: memref<1x1xf32, #tpu.memory_space<vmem>>, %arg9: memref<512x1xf32, #tpu.memory_space<vmem>>) attributes {dimension_semantics = [#tpu.dimension_semantics<arbitrary>], iteration_bounds = array<i64: 32>, scalar_prefetch = 0 : i64, scratch_operands = 0 : i64, tpu.core_type = #tpu.core_type<tc>, window_params = [{transform_indices = @transform_0, window_bounds = array<i64: 512, 512>}, {transform_indices = @transform_1, window_bounds = array<i64: 512, 1>}, {pipeline_mode = #tpu.pipeline_mode<synchronous>, transform_indices = @transform_2, window_bounds = array<i64: 1, 512>}, {pipeline_mode = #tpu.pipeline_mode<synchronous>, transform_indices = @transform_3, window_bounds = array<i64: 1, 512>}, {pipeline_mode = #tpu.pipeline_mode<synchronous>, transform_indices = @transform_4, window_bounds = array<i64: 512, 256>}, {pipeline_mode = #tpu.pipeline_mode<synchronous>, transform_indices = @transform_5, window_bounds = array<i64: 1, 256>}, {pipeline_mode = #tpu.pipeline_mode<synchronous>, transform_indices = @transform_6, window_bounds = array<i64: 256, 1>}, {pipeline_mode = #tpu.pipeline_mode<synchronous>, transform_indices = @transform_7, window_bounds = array<i64: 1, 1>}, {transform_indices = @transform_8, window_bounds = array<i64: 512, 1>}]} {
    %get3A = arith.constant 0 : index
    %get3A_0 = arith.constant 0 : index
    %get3A_1 = vector.load %arg1[%get3A, %get3A_0] : memref<512x512xf32, #tpu.memory_space<vmem>>, vector<512x512xf32>
    %get3A_2 = arith.constant 0 : index
    %get3A_3 = arith.constant 0 : index
    %get3A_4 = vector.load %arg3[%get3A_2, %get3A_3] : memref<1x512xf32, #tpu.memory_space<vmem>>, vector<1x512xf32>
    %mul3A = vector.broadcast %get3A_4 : vector<1x512xf32> to vector<512x512xf32>
    %mul3A_5 = arith.mulf %get3A_1, %mul3A : vector<512x512xf32>
    %get3A_6 = arith.constant 0 : index
    %get3A_7 = arith.constant 0 : index
    %get3A_8 = vector.load %arg4[%get3A_6, %get3A_7] : memref<1x512xf32, #tpu.memory_space<vmem>>, vector<1x512xf32>
    %add3A = vector.broadcast %get3A_8 : vector<1x512xf32> to vector<512x512xf32>
    %add3A_9 = arith.addf %mul3A_5, %add3A : vector<512x512xf32>
    %max3A = arith.constant 0.000000e+00 : f32
    %max3A_10 = vector.broadcast %max3A : f32 to vector<512x512xf32>
    %max3A_11 = arith.maximumf %add3A_9, %max3A_10 : vector<512x512xf32>
    %get3A_12 = arith.constant 0 : index
    %get3A_13 = arith.constant 0 : index
    %get3A_14 = vector.load %arg5[%get3A_12, %get3A_13] : memref<512x256xf32, #tpu.memory_space<vmem>>, vector<512x256xf32>
    %dot_general3A = arith.constant dense<0.000000e+00> : vector<512x256xf32>
    %dot_general3A_15 = tpu.matmul %max3A_11, %get3A_14, %dot_general3A {dimension_numbers = #tpu.dot_dimension_numbers<[1], [0], [0], [1], [0, 0, 1, 1], [], []>, transpose_lhs_hint = false} : vector<512x512xf32>, vector<512x256xf32>, vector<512x256xf32> -> vector<512x256xf32>
    %get3A_16 = arith.constant 0 : index
    %get3A_17 = arith.constant 0 : index
    %get3A_18 = vector.load %arg6[%get3A_16, %get3A_17] : memref<1x256xf32, #tpu.memory_space<vmem>>, vector<1x256xf32>
    %add3A_19 = vector.broadcast %get3A_18 : vector<1x256xf32> to vector<512x256xf32>
    %add3A_20 = arith.addf %dot_general3A_15, %add3A_19 : vector<512x256xf32>
    %get3A_21 = arith.constant 0 : index
    %get3A_22 = arith.constant 0 : index
    %get3A_23 = vector.load %arg7[%get3A_21, %get3A_22] : memref<256x1xf32, #tpu.memory_space<vmem>>, vector<256x1xf32>
    %dot_general3A_24 = arith.constant dense<0.000000e+00> : vector<512x1xf32>
    %dot_general3A_25 = tpu.matmul %add3A_20, %get3A_23, %dot_general3A_24 {dimension_numbers = #tpu.dot_dimension_numbers<[1], [0], [0], [1], [0, 0, 1, 1], [], []>, transpose_lhs_hint = false} : vector<512x256xf32>, vector<256x1xf32>, vector<512x1xf32> -> vector<512x1xf32>
    %get3A_26 = arith.constant 0 : index
    %get3A_27 = arith.constant 0 : index
    %get3A_28 = vector.load %arg8[%get3A_26, %get3A_27] : memref<1x1xf32, #tpu.memory_space<vmem>>, vector<1x1xf32>
    %add3A_29 = vector.broadcast %get3A_28 : vector<1x1xf32> to vector<512x1xf32>
    %add3A_30 = arith.addf %dot_general3A_25, %add3A_29 : vector<512x1xf32>
    %get3A_31 = arith.constant 0 : index
    %get3A_32 = arith.constant 0 : index
    %get3A_33 = vector.load %arg2[%get3A_31, %get3A_32] : memref<512x1xf32, #tpu.memory_space<vmem>>, vector<512x1xf32>
    %add3A_34 = arith.addf %add3A_30, %get3A_33 : vector<512x1xf32>
    %swap3A = arith.constant 0 : index
    %swap3A_35 = arith.constant 0 : index
    %swap3A_36 = vector.load %arg9[%swap3A, %swap3A_35] : memref<512x1xf32, #tpu.memory_space<vmem>>, vector<512x1xf32>
    tpu.vector_store %arg9[%swap3A, %swap3A_35], %add3A_34 {strides = array<i32>} : memref<512x1xf32, #tpu.memory_space<vmem>>, vector<512x1xf32>,
    return
  }
  func.func @transform_0(%arg0: i32) -> (i32, i32) {
    %c0_i32 = arith.constant 0 : i32
    %c0_i32_0 = arith.constant 0 : i32
    return %arg0, %c0_i32 : i32, i32
  }
  func.func @transform_1(%arg0: i32) -> (i32, i32) {
    %c0_i32 = arith.constant 0 : i32
    %c0_i32_0 = arith.constant 0 : i32
    return %arg0, %c0_i32 : i32, i32
  }
  func.func @transform_2(%arg0: i32) -> (i32, i32) {
    %c0_i32 = arith.constant 0 : i32
    %c0_i32_0 = arith.constant 0 : i32
    %c0_i32_1 = arith.constant 0 : i32
    return %c0_i32, %c0_i32_0 : i32, i32
  }
  func.func @transform_3(%arg0: i32) -> (i32, i32) {
    %c0_i32 = arith.constant 0 : i32
    %c0_i32_0 = arith.constant 0 : i32
    %c0_i32_1 = arith.constant 0 : i32
    return %c0_i32, %c0_i32_0 : i32, i32
  }
  func.func @transform_4(%arg0: i32) -> (i32, i32) {
    %c0_i32 = arith.constant 0 : i32
    %c0_i32_0 = arith.constant 0 : i32
    %c0_i32_1 = arith.constant 0 : i32
    return %c0_i32, %c0_i32_0 : i32, i32
  }
  func.func @transform_5(%arg0: i32) -> (i32, i32) {
    %c0_i32 = arith.constant 0 : i32
    %c0_i32_0 = arith.constant 0 : i32
    %c0_i32_1 = arith.constant 0 : i32
    return %c0_i32, %c0_i32_0 : i32, i32
  }
  func.func @transform_6(%arg0: i32) -> (i32, i32) {
    %c0_i32 = arith.constant 0 : i32
    %c0_i32_0 = arith.constant 0 : i32
    %c0_i32_1 = arith.constant 0 : i32
    return %c0_i32, %c0_i32_0 : i32, i32
  }
  func.func @transform_7(%arg0: i32) -> (i32, i32) {
    %c0_i32 = arith.constant 0 : i32
    %c0_i32_0 = arith.constant 0 : i32
    %c0_i32_1 = arith.constant 0 : i32
    return %c0_i32, %c0_i32_0 : i32, i32
  }
  func.func @transform_8(%arg0: i32) -> (i32, i32) {
    %c0_i32 = arith.constant 0 : i32
    %c0_i32_0 = arith.constant 0 : i32
    return %arg0, %c0_i32 : i32, i32
  }
}

</mosaic_0001>

<sc_bundles>
// kernel: kernel.6.cloned.1.call-start
scs
__scs_entry_jumppad:
0x0: {  	(pc) =	sbr.rel $0x88, $3  }
0x1: {  	(tag) =	ssettag $0x0;
	lr =	simm.s32 $0x1  }
0x2: {  	[smem:$0x3F92] =	sst lr;
	_ =	strace $0xD0000000  }
0x3: {  	_ = 	snop  }
0x4: {  	_ = 	snop  }
0x5: {  	_ = 	snop  }
0x6: {  	_ = 	snop  }
0x7: {  	_ = 	snop  }
__scs_overlays_trampoline_lowered:
0x8: {  	[smem:$0x3FA1] =	sst s0  }
0x9: {  	[smem:$0x3FA2] =	sst s1  }
0xa: {  	[smem:$0x3FA3] =	sst s2  }
0xb: {  	[smem:$0x3FA4] =	sst s3  }
0xc: {  	[smem:$0x3FA5] =	sst s4  }
0xd: {  	[smem:$0x3FA6] =	sst s5  }
0xe: {  	[smem:$0x3FA7] =	sst s6  }
0xf: {  	[smem:$0x3FA8] =	sst s7  }
0x10: {  	[smem:$0x3FA9] =	sst s8  }
0x11: {  	[smem:$0x3FAA] =	sst s9;
	s0 =	simm.s32 @!p0 $0x0  }
0x12: {  	s1 =	sld [smem:$0x3F90];
	s0 =	simm.s32 @p0 $0x1  }
0x13: {  	[smem:$0x3FAB] =	sst s0;
	s0 =	simm.s32 @!p1 $0x0  }
0x14: {  	s2 =	sld [smem:$0x3F8F];
	s0 =	simm.s32 @p1 $0x1  }
0x15: {  	[smem:$0x3FAC] =	sst s0;
	s0 =	simm.s32 @!p2 $0x0  }
0x16: {  	s3 =	sld [smem:$0x3FDB];
	s0 =	simm.s32 @p2 $0x1  }
0x17: {  	s4 =	simm.s32 $0x1BF5;
	[smem:$0x3FAE] =	sst s0  }
0x18: {  	s0 =	sld [smem:$0x3F91];
	_ =	swait.ge [sflag:s4], $0x0  }
0x19: {  	s7 =	sld [smem:$0x3F92]  }
0x1a: {  	s8 =	sadd.s32 $0xFFFFE003, lr  }
0x1b: {  	s9 =	sadd.s32 $0xFFFFFEF7, lr;
	s5 =	simm.s32 $0xFFFFFFFF;
	p2 =	slt.u32 s8, $0xFFFFF086  }
0x1c: {  	p1 =	slt.u32 s9, $0xF7A;
	s5 =	simm.s32 @!p2 $0x0  }
0x1d: {  	s5 =	simm.s32 @p1 $0x1;
	p0 =	seq.s32 s7, s2  }
0x1e: {  	s7 =	smul.u32 @!p0 $0xF7A, s2;
	p2 =	seq.s32 @!p0 s5, $0x0  }
0x1f: {  	s9 =	smul.u32 $0xF7A, s1;
	s8 =	simm.s32 @!p0 $0x1BF5;
	p2 =	por !p2, p0  }
0x20: {  	[sflag:s8] =	ssyncset.s32 @!p0 $0xFFFFF086;
	s6 =	sadd.s32 @!p0 s3, s7;
	s7 =	simm.s32 @!p0 $0x108  }
0x21: {  	s3 =	sadd.s32 s3, s9;
	s6 =	sadd.s32 @!p0 $0x88, s6;
	s7 =	simm.s32 @p2 $0x1082  }
0x22: {  	[simem:s7], [sflag:s8] =	dma.local @!p0 [hbm:s6], $0xF7A  }
0x23: {  	s9 =	sor.u32 $0xD0000000, s2;
	s6 =	simm.s32 $0x108;
	_ =	swait.ge @!p0 [sflag:s8], $0x0  }
0x24: {  	s3 =	sadd.s32 $0x88, s3;
	s6 =	simm.s32 @!p1 $0x1082;
	[sflag:s4] =	ssyncset.s32 $0xFFFFF086  }
0x25: {  	[simem:s6], [sflag:s4] =	dma.local [hbm:s3], $0xF7A  }
0x26: {  	[smem:$0x3F92] =	sst s1;
	(tag) =	ssettag s2;
	_ =	strace s9  }
0x27: {  	s1 =	sld [smem:$0x3FA2]  }
0x28: {  	s2 =	sld [smem:$0x3FA3]  }
0x29: {  	s4 =	sld [smem:$0x3FA5]  }
0x2a: {  	p0 =	seq.s32 s5, $0x0;
	s5 =	sld [smem:$0x3FA6]  }
0x2b: {  	s6 =	sld [smem:$0x3FA7]  }
0x2c: {  	s7 =	sld [smem:$0x3FA8]  }
0x2d: {  	s3 =	simm.s32 $0x108;
	s8 =	sld [smem:$0x3FA9]  }
0x2e: {  	s3 =	simm.s32 @!p0 $0x1082;
	s9 =	sld [smem:$0x3FAA]  }
0x2f: {  	lr =	sadd.s32 s0, s3;
	s0 =	sld [smem:$0x3FA1]  }
0x30: {  	s3 =	sld [smem:$0x3FA4]  }
0x31: {  	[smem:$0x3FAD] =	sst s10  }
0x32: {  	s10 =	sld [smem:$0x3FAB];
	_ =	sdelay $0x3  }
0x33: {  	p0 =	seq.s32 s10, $0x1;
	s10 =	sld [smem:$0x3FAD];
	_ =	sdelay $0x3  }
0x34: {  	[smem:$0x3FAD] =	sst s10  }
0x35: {  	s10 =	sld [smem:$0x3FAC];
	_ =	sdelay $0x3  }
0x36: {  	p1 =	seq.s32 s10, $0x1;
	s10 =	sld [smem:$0x3FAD];
	_ =	sdelay $0x3  }
0x37: {  	[smem:$0x3FAD] =	sst s10  }
0x38: {  	s10 =	sld [smem:$0x3FAE]  }
0x39: {  	_ = 	snop;
	(pc) =	sbr.ind lr, $3  }
0x3a: {  	_ = 	snop  }
0x3b: {  	_ = 	snop  }
0x3c: {  	p2 =	seq.s32 s10, $0x1;
	s10 =	sld [smem:$0x3FAD]  }
0x3d: {  	_ =	shalt  }
0x3e: {  	_ =	shalt  }
0x3f: {  	_ =	shalt  }
0x40: {  	_ =	shalt  }
0x41: {  	_ =	shalt  }
0x42: {  	_ =	shalt  }
0x43: {  	_ =	shalt  }
0x44: {  	_ =	shalt  }
0x45: {  	_ =	shalt  }
0x46: {  	_ =	shalt  }
0x47: {  	_ =	shalt  }
0x48: {  	_ =	shalt  }
0x49: {  	_ =	shalt  }
0x4a: {  	_ =	shalt  }
0x4b: {  	_ =	shalt  }
0x4c: {  	_ =	shalt  }
0x4d: {  	_ =	shalt  }
0x4e: {  	_ =	shalt  }
0x4f: {  	_ =	shalt  }
0x50: {  	_ =	shalt  }
0x51: {  	_ =	shalt  }
0x52: {  	_ =	shalt  }
0x53: {  	_ =	shalt  }
0x54: {  	_ =	shalt  }
0x55: {  	_ =	shalt  }
0x56: {  	_ =	shalt  }
0x57: {  	_ =	shalt  }
0x58: {  	_ =	shalt  }
0x59: {  	_ =	shalt  }
0x5a: {  	_ =	shalt  }
0x5b: {  	_ =	shalt  }
0x5c: {  	_ =	shalt  }
0x5d: {  	_ =	shalt  }
0x5e: {  	_ =	shalt  }
0x5f: {  	_ =	shalt  }
0x60: {  	_ =	shalt  }
0x61: {  	_ =	shalt  }
0x62: {  	_ =	shalt  }
0x63: {  	_ =	shalt  }
0x64: {  	_ =	shalt  }
0x65: {  	_ =	shalt  }
0x66: {  	_ =	shalt  }
0x67: {  	_ =	shalt  }
0x68: {  	_ =	shalt  }
0x69: {  	_ =	shalt  }
0x6a: {  	_ =	shalt  }
0x6b: {  	_ =	shalt  }
0x6c: {  	_ =	shalt  }
0x6d: {  	_ =	shalt  }
0x6e: {  	_ =	shalt  }
0x6f: {  	_ =	shalt  }
0x70: {  	_ =	shalt  }
0x71: {  	_ =	shalt  }
0x72: {  	_ =	shalt  }
0x73: {  	_ =	shalt  }
0x74: {  	_ =	shalt  }
0x75: {  	_ =	shalt  }
0x76: {  	_ =	shalt  }
0x77: {  	_ =	shalt  }
0x78: {  	_ =	shalt  }
0x79: {  	_ =	shalt  }
0x7a: {  	_ =	shalt  }
0x7b: {  	_ =	shalt  }
0x7c: {  	_ =	shalt  }
0x7d: {  	_ =	shalt  }
0x7e: {  	_ =	shalt  }
0x7f: {  	_ =	shalt  }
0x80: {  	_ =	shalt  }
0x81: {  	_ =	shalt  }
0x82: {  	_ =	shalt  }
0x83: {  	_ =	shalt  }
0x84: {  	_ =	shalt  }
0x85: {  	_ =	shalt  }
0x86: {  	_ =	shalt  }
0x87: {  	_ =	shalt  }
.Lfunc_end0:
.L_simem_size_0:
called_computation_lowered:
.L_overlay_start_0:
0x88: {  	s2 =	sld [smem:$0x3FD9]  }
0x89: {  	s3 =	sld [smem:$0x3FFE];
	_ =	sdelay $0x1  }
0x8a: {  	s1 =	srdreg.scid  }
0x8b: {  	s0 =	sand.u32 $0x1, s1  }
0x8c: {  	s16 =	sshll.u32 s0, $0xA;
	s2 =	sadd.s32 s3, s2  }
0x8d: {  	s2 =	sadd.s32 s2, s16  }
0x8e: {  	[smem:$0x3FB9] =	sst s2  }
0x8f: {  	_ = 	snop  }
0x90: {  	(tm) =	ssettm $0x1  }
0x91: {  	s17 =	sld [smem:$0x3FFB];
	_ =	sdelay $0x3  }
0x92: {  	_ =	strace s17  }
0x93: {  	s2 =	sld [smem:$0x3FFC];
	_ =	sdelay $0x3  }
0x94: {  	_ =	strace s2  }
0x95: {  	s2 =	sld [smem:$0x3FFD];
	_ =	sdelay $0x3  }
0x96: {  	_ =	strace s2  }
0x97: {  	_ =	strace $0x8FFFFFFF  }
0x98: {  	s18 =	sld [smem:$0x3FDB];
	_ =	sdelay $0x1  }
0x99: {  	s19 =	simm.s32 $_scs_section_size  }
0x9a: {  	s4 =	simm.s32 $_size__tile_overlayer_lowered;
	s5 =	simm.s32 $_tile_overlayer_lowered  }
0x9b: {  	s22 =	simm.s32 $0x1BFF;
	s21 =	sshll.u32 s5, $0x1;
	s2 =	sadd.s32 s19, s18  }
0x9c: {  	s6 =	simm.s32 $0x0;
	s20 =	sshll.u32 s4, $0x1;
	s4 =	sadd.s32 s21, s2  }
0x9d: {  	[timem:s6], [sflag:s22] =	dma.local [hbm:s4], s20  }
0x9e: {  	_ =	swait.ge [sflag:s22], s20  }
0x9f: {  	s3 =	ssub.s32 $0x0, s20;
	[sflag:s22] =	ssyncset.done $0x0  }
0xa0: {  	[sflag:s22] =	ssyncadd.s32 s3;
	_ =	sdelay $0x1  }
0xa1: {  	s23 =	simm.s32 $0x1B8B  }
0xa2: {  	_ =	swait.ge [sflag:s23], $0x1  }
0xa3: {  	[sflag:s23] =	ssyncset.done $0x0  }
0xa4: {  	s25 =	simm.s32 $0x1B8E;
	s24 =	sld [smem:$0x3FFE];
	[sflag:s23] =	ssyncadd.s32 $0xFFFFFFFF  }
0xa5: {  	s26 =	simm.s32 $execute0_lowered;
	[smem:$0x3FD2] =	sst s25  }
0xa6: {  	s4 =	sshll.u32 s26, $0x1;
	_ =	strace $0x80000046;
	[dreg:$0x1] =	wrdreg $0xFFFFFFFF  }
0xa7: {  	s28 =	simm.s32 $_size_execute0_lowered;
	s2 =	sadd.s32 s2, s4;
	[dreg:$0x0] =	wrdreg $0x0  }
0xa8: {  	s4 =	sshll.u32 s28, $0x1;
	[dreg:$0x2] =	wrdreg s2  }
0xa9: {  	[dreg:$0x3] =	wrdreg s4  }
0xaa: {  	[dreg:$0x4] =	wrdreg $0xC0  }
0xab: {  	_ =	task [dreg:s6], $0x5FFFF  }
0xac: {  	[dreg:$0x1] =	wrdreg $0xFFFFFFFF  }
0xad: {  	[dreg:$0x0] =	wrdreg $0x60  }
0xae: {  	[dreg:$0x2] =	wrdreg s24  }
0xaf: {  	[dreg:$0x3] =	wrdreg $0x9  }
0xb0: {  	_ =	task.clear_ibuf [dreg:s6], $0x4FFFF;
	_ =	strace $0x90000046  }
0xb1: {  	s29 =	simm.s32 $0x9;
	_ =	strace $0x80000048  }
0xb2: {  	_ =	swait.ge [sflag:s29], $0x1  }
0xb3: {  	[sflag:s29] =	ssyncadd.s32 $0xFFFFFFFF  }
0xb4: {  	_ =	strace $0x90000048  }
0xb5: {  	_ =	sfence  }
0xb6: {  	s30 =	sld [smem:$0x0];
	_ =	sdelay $0x2  }
0xb7: {  	s31 =	sshll.u32 s1, $0xD;
	s1 =	sshrl.u32 s1, $0x2  }
0xb8: {  	s3 =	sand.u32 $0x4000, s31;
	s1 =	sadd.s32 s1, s30  }
0xb9: {  	s0 =	sor.u32 s3, s0;
	s1 =	sshll.u32 s1, $0x11  }
0xba: {  	s0 =	sor.u32 s1, s0  }
0xbb: {  	s0 =	sadd.s32 $0x8F2B, s0  }
0xbc: {  	[sflag:s0] =	ssyncadd.remote.s32 $0x1  }
0xbd: {  	_ =	sfence.sel $0xFFFF  }
0xbe: {  	[dreg:$0x0] =	wrdreg $0xFFFFFFFF;
	(pc) =	sbr.abs _section_cstart, $3  }
0xbf: {  	[dreg:$0x1] =	wrdreg $0xFFFFFFFF  }
0xc0: {  	_ =	task.clear_ibuf [dreg:s6], $0x2FFFF;
	_ =	strace $0x9FFFFFFF  }
0xc1: {  	(tm) =	ssettm $0x7FFFFFFF  }
tec
execute0_lowered:
.L_overlay_start_1:
0x0: {  	(tag) =	ssettag $0x1  }
0x1: {  	s0 =	srdreg.scid  }
0x2: {  	s4 =	stileid.u32;
	s5 =	rddreg [dreg:$0x0];
	s2 =	simm.s32 $0x0  }
0x3: {  	s26 =	simm.s32 $0xC00;
	s30 =	simm.s32 $0x4480;
	s9 =	simm.s32 $0x400  }
0x4: {  	s31 =	simm.s32 $0x1400;
	s10 =	simm.s32 $0x4400;
	s11 =	simm.s32 $0x100  }
0x5: {  	s12 =	simm.s32 $0x4500;
	s13 =	simm.s32 $0x180;
	s14 =	simm.s32 $0x1C00  }
0x6: {  	s15 =	simm.s32 $0x4580;
	s16 =	simm.s32 $0x200;
	s17 =	simm.s32 $0x2400  }
0x7: {  	s18 =	simm.s32 $0x4600;
	s19 =	simm.s32 $0x280;
	s20 =	simm.s32 $0x2C00  }
0x8: {  	s21 =	simm.s32 $0x4680;
	s22 =	simm.s32 $0x300;
	s23 =	simm.s32 $0x3400  }
0x9: {  	s24 =	simm.s32 $0x4700;
	s28 =	simm.s32 $0x4780;
	s1 =	smul.u32 $0x6800, s4  }
0xa: {  	s29 =	simm.s32 $0x1;
	s0 =	sand.u32 $0x1, s0;
	s6 =	smul.u32 $0xD000, s4  }
0xb: {  	[smem:$0x7FF] =	sst s2;
	s4 =	sadd.s32 $0x2A00, s5;
	s3 =	smul.u32 $0x3400, s0  }
0xc: {  	_ =	strace $0x80000047;
	s25 =	ssub.s32 $0x2, s0;
	[dreg:$0x4] =	wrdreg s26  }
0xd: {  	s0 =	smul.u32 $0x6800, s0;
	[dreg:$0x5] =	wrdreg s30;
	s1 =	sadd.s32 s3, s1  }
0xe: {  	[dreg:$0x6] =	wrdreg s31;
	s26 =	simm.s32 $0x3C00;
	s1 =	sshrl.u32 s1, $0x3  }
0xf: {  	s7 =	sshrl.u32 s25, $0x1;
	s3 =	sadd.s32 $0x27AEE00, s5;
	s1 =	sadd.s32 s1, s5  }
0x10: {  	s5 =	sadd.s32 s6, s5;
	s6 =	ssub.s32 s25, s7;
	s8 =	sadd.s32 $0x12F000, s1  }
0x11: {  	s7 =	simm.s32 $0x2;
	s6 =	smax.u32 s6, $0x1;
	[dreg:$0x2] =	wrdreg s8  }
0x12: {  	s1 =	sadd.s32 $0x52000, s1;
	s0 =	sadd.s32 s0, s5;
	[dreg:$0x7] =	wrdreg s6  }
0x13: {  	s25 =	simm.s32 $0x380;
	[dreg:$0x3] =	wrdreg s1;
	s0 =	sadd.s32 $0x5F000, s0  }
0x14: {  	s8 =	simm.s32 $0x80;
	s1 =	simm.s32 $0x0;
	[dreg:$0x8] =	wrdreg s0  }
.LBB2_1:
0x15: {  	s0 =	rddreg [dreg:$0x3]  }
0x16: {  	[dreg:$0x9] =	wrdreg s1;
	s0 =	sadd.s32 $0x0, s0  }
0x17: {  	[tilespmem:s2], [sflag:$0x2] =	stream.linear.gather [hbm4b:s0+s2], $0x400, $0x38;
	[tilespmem:$0x4800] =	vst v63  }
0x18: {  	_ =	swait.ge [sflag:s7], $0x400  }
0x19: {  	[sflag:s7] =	ssyncset.done $0x0  }
0x1a: {  	[sflag:s7] =	ssyncadd.s32 $0xFFFFFC00  }
0x1b: {  	[tilespmem:s9], [sflag:$0x1] =	stream.indirect.gather [hbm4b:s3+s8], $0x10, s2, s8, $0xb8;
	[tilespmem:$0x4800] =	vst v63  }
0x1c: {  	_ = 	snop  }
0x1d: {  	[tilespmem:s10], [sflag:$0x1] =	stream.indirect.gather [hbm4b:s4+s8], $0x1, s2, s8, $0xb8;
	[tilespmem:$0x4800] =	vst v63  }
0x1e: {  	s1 =	rddreg [dreg:$0x4]  }
0x1f: {  	[tilespmem:s1], [sflag:$0x1] =	stream.indirect.gather [hbm4b:s3+s8], $0x10, s8, s8, $0xb8;
	[tilespmem:$0x4800] =	vst v63  }
0x20: {  	s5 =	rddreg [dreg:$0x5]  }
0x21: {  	[tilespmem:s5], [sflag:$0x1] =	stream.indirect.gather [hbm4b:s4+s8], $0x1, s8, s8, $0xb8;
	[tilespmem:$0x4800] =	vst v63  }
0x22: {  	s6 =	rddreg [dreg:$0x6]  }
0x23: {  	[tilespmem:s6], [sflag:$0x1] =	stream.indirect.gather [hbm4b:s3+s8], $0x10, s11, s8, $0xb8;
	[tilespmem:$0x4800] =	vst v63  }
0x24: {  	_ = 	snop  }
0x25: {  	[tilespmem:s12], [sflag:$0x1] =	stream.indirect.gather [hbm4b:s4+s8], $0x1, s11, s8, $0xb8;
	[tilespmem:$0x4800] =	vst v63  }
0x26: {  	_ = 	snop  }
0x27: {  	[tilespmem:s14], [sflag:$0x1] =	stream.indirect.gather [hbm4b:s3+s8], $0x10, s13, s8, $0xb8;
	[tilespmem:$0x4800] =	vst v63  }
0x28: {  	_ = 	snop  }
0x29: {  	[tilespmem:s15], [sflag:$0x1] =	stream.indirect.gather [hbm4b:s4+s8], $0x1, s13, s8, $0xb8;
	[tilespmem:$0x4800] =	vst v63  }
0x2a: {  	_ = 	snop  }
0x2b: {  	[tilespmem:s17], [sflag:$0x1] =	stream.indirect.gather [hbm4b:s3+s8], $0x10, s16, s8, $0xb8;
	[tilespmem:$0x4800] =	vst v63  }
0x2c: {  	_ = 	snop  }
0x2d: {  	[tilespmem:s18], [sflag:$0x1] =	stream.indirect.gather [hbm4b:s4+s8], $0x1, s16, s8, $0xb8;
	[tilespmem:$0x4800] =	vst v63  }
0x2e: {  	_ = 	snop  }
0x2f: {  	[tilespmem:s20], [sflag:$0x1] =	stream.indirect.gather [hbm4b:s3+s8], $0x10, s19, s8, $0xb8;
	[tilespmem:$0x4800] =	vst v63  }
0x30: {  	_ = 	snop  }
0x31: {  	[tilespmem:s21], [sflag:$0x1] =	stream.indirect.gather [hbm4b:s4+s8], $0x1, s19, s8, $0xb8;
	[tilespmem:$0x4800] =	vst v63  }
0x32: {  	_ = 	snop  }
0x33: {  	[tilespmem:s23], [sflag:$0x1] =	stream.indirect.gather [hbm4b:s3+s8], $0x10, s22, s8, $0xb8;
	[tilespmem:$0x4800] =	vst v63  }
0x34: {  	_ = 	snop  }
0x35: {  	[tilespmem:s24], [sflag:$0x1] =	stream.indirect.gather [hbm4b:s4+s8], $0x1, s22, s8, $0xb8;
	[tilespmem:$0x4800] =	vst v63  }
0x36: {  	_ = 	snop  }
0x37: {  	[tilespmem:s26], [sflag:$0x1] =	stream.indirect.gather [hbm4b:s3+s8], $0x10, s25, s8, $0xb8;
	[tilespmem:$0x4800] =	vst v63  }
0x38: {  	_ = 	snop  }
0x39: {  	[tilespmem:s28], [sflag:$0x1] =	stream.indirect.gather [hbm4b:s4+s8], $0x1, s25, s8, $0xb8;
	[tilespmem:$0x4800] =	vst v63  }
0x3a: {  	_ =	swait.ge [sflag:s29], $0x4000  }
0x3b: {  	[sflag:s29] =	ssyncset.done $0x0  }
0x3c: {  	[sflag:s29] =	ssyncadd.s32 $0xFFFFC000  }
0x3d: {  	_ =	swait.ge [sflag:s29], $0x400  }
0x3e: {  	[sflag:s29] =	ssyncset.done $0x0  }
0x3f: {  	s6 =	rddreg [dreg:$0x8];
	[sflag:s29] =	ssyncadd.s32 $0xFFFFFC00  }
0x40: {  	[hbm4b:s6+s2] =	stream.linear.scatter [tilespmem:s9], [sflag:$0x2], $0x4000, $0x38;
	[tilespmem:$0x4800] =	vst v63  }
0x41: {  	_ =	swait.ge [sflag:s7], $0x4000  }
0x42: {  	s30 =	rddreg [dreg:$0x2];
	[sflag:s7] =	ssyncset.done $0x0  }
0x43: {  	[sflag:s7] =	ssyncadd.s32 $0xFFFFC000;
	s0 =	sadd.s32 $0x0, s30  }
0x44: {  	[hbm4b:s0+s2] =	stream.linear.scatter [tilespmem:s10], [sflag:$0x2], $0x400, $0x38;
	[tilespmem:$0x4800] =	vst v63  }
0x45: {  	s31 =	simm.s32 $0x80;
	_ =	swait.ge [sflag:s7], $0x400  }
0x46: {  	s0 =	simm.s32 $0x100;
	s1 =	rddreg [dreg:$0x3];
	[sflag:s7] =	ssyncset.done $0x0  }
.LBB2_2:
0x47: {  	[sflag:s7] =	ssyncadd.s32 $0xFFFFFC00;
	s1 =	sadd.s32 s31, s1  }
0x48: {  	[tilespmem:s2], [sflag:$0x2] =	stream.linear.gather [hbm4b:s1+s2], $0x400, $0x38;
	[tilespmem:$0x4800] =	vst v63  }
0x49: {  	_ =	swait.ge [sflag:s7], $0x400  }
0x4a: {  	[sflag:s7] =	ssyncset.done $0x0  }
0x4b: {  	[sflag:s7] =	ssyncadd.s32 $0xFFFFFC00  }
0x4c: {  	[tilespmem:s9], [sflag:$0x1] =	stream.indirect.gather [hbm4b:s3+s8], $0x10, s2, s8, $0xb8;
	[tilespmem:$0x4800] =	vst v63  }
0x4d: {  	_ = 	snop  }
0x4e: {  	[tilespmem:s10], [sflag:$0x1] =	stream.indirect.gather [hbm4b:s4+s8], $0x1, s2, s8, $0xb8;
	[tilespmem:$0x4800] =	vst v63  }
0x4f: {  	s1 =	rddreg [dreg:$0x4]  }
0x50: {  	[tilespmem:s1], [sflag:$0x1] =	stream.indirect.gather [hbm4b:s3+s8], $0x10, s8, s8, $0xb8;
	[tilespmem:$0x4800] =	vst v63  }
0x51: {  	s30 =	rddreg [dreg:$0x5]  }
0x52: {  	[tilespmem:s30], [sflag:$0x1] =	stream.indirect.gather [hbm4b:s4+s8], $0x1, s8, s8, $0xb8;
	[tilespmem:$0x4800] =	vst v63  }
0x53: {  	s1 =	rddreg [dreg:$0x6]  }
0x54: {  	[tilespmem:s1], [sflag:$0x1] =	stream.indirect.gather [hbm4b:s3+s8], $0x10, s11, s8, $0xb8;
	[tilespmem:$0x4800] =	vst v63  }
0x55: {  	_ = 	snop  }
0x56: {  	[tilespmem:s12], [sflag:$0x1] =	stream.indirect.gather [hbm4b:s4+s8], $0x1, s11, s8, $0xb8;
	[tilespmem:$0x4800] =	vst v63  }
0x57: {  	_ = 	snop  }
0x58: {  	[tilespmem:s14], [sflag:$0x1] =	stream.indirect.gather [hbm4b:s3+s8], $0x10, s13, s8, $0xb8;
	[tilespmem:$0x4800] =	vst v63  }
0x59: {  	_ = 	snop  }
0x5a: {  	[tilespmem:s15], [sflag:$0x1] =	stream.indirect.gather [hbm4b:s4+s8], $0x1, s13, s8, $0xb8;
	[tilespmem:$0x4800] =	vst v63  }
0x5b: {  	_ = 	snop  }
0x5c: {  	[tilespmem:s17], [sflag:$0x1] =	stream.indirect.gather [hbm4b:s3+s8], $0x10, s16, s8, $0xb8;
	[tilespmem:$0x4800] =	vst v63  }
0x5d: {  	_ = 	snop  }
0x5e: {  	[tilespmem:s18], [sflag:$0x1] =	stream.indirect.gather [hbm4b:s4+s8], $0x1, s16, s8, $0xb8;
	[tilespmem:$0x4800] =	vst v63  }
0x5f: {  	_ = 	snop  }
0x60: {  	[tilespmem:s20], [sflag:$0x1] =	stream.indirect.gather [hbm4b:s3+s8], $0x10, s19, s8, $0xb8;
	[tilespmem:$0x4800] =	vst v63  }
0x61: {  	_ = 	snop  }
0x62: {  	[tilespmem:s21], [sflag:$0x1] =	stream.indirect.gather [hbm4b:s4+s8], $0x1, s19, s8, $0xb8;
	[tilespmem:$0x4800] =	vst v63  }
0x63: {  	_ = 	snop  }
0x64: {  	[tilespmem:s23], [sflag:$0x1] =	stream.indirect.gather [hbm4b:s3+s8], $0x10, s22, s8, $0xb8;
	[tilespmem:$0x4800] =	vst v63  }
0x65: {  	_ = 	snop  }
0x66: {  	[tilespmem:s24], [sflag:$0x1] =	stream.indirect.gather [hbm4b:s4+s8], $0x1, s22, s8, $0xb8;
	[tilespmem:$0x4800] =	vst v63  }
0x67: {  	_ = 	snop  }
0x68: {  	[tilespmem:s26], [sflag:$0x1] =	stream.indirect.gather [hbm4b:s3+s8], $0x10, s25, s8, $0xb8;
	[tilespmem:$0x4800] =	vst v63  }
0x69: {  	_ = 	snop  }
0x6a: {  	[tilespmem:s28], [sflag:$0x1] =	stream.indirect.gather [hbm4b:s4+s8], $0x1, s25, s8, $0xb8;
	[tilespmem:$0x4800] =	vst v63  }
0x6b: {  	_ =	swait.ge [sflag:s29], $0x4000  }
0x6c: {  	[sflag:s29] =	ssyncset.done $0x0  }
0x6d: {  	[sflag:s29] =	ssyncadd.s32 $0xFFFFC000  }
0x6e: {  	_ =	swait.ge [sflag:s29], $0x400  }
0x6f: {  	[sflag:s29] =	ssyncset.done $0x0  }
0x70: {  	s6 =	sadd.s32 $0x800, s6;
	[sflag:s29] =	ssyncadd.s32 $0xFFFFFC00  }
0x71: {  	[hbm4b:s6+s2] =	stream.linear.scatter [tilespmem:s9], [sflag:$0x2], $0x4000, $0x38;
	[tilespmem:$0x4800] =	vst v63  }
0x72: {  	p0 =	sne.s32 s0, $0x600;
	_ =	swait.ge [sflag:s7], $0x4000  }
.Ltmp0:
0x73: {  	s30 =	rddreg [dreg:$0x2];
	[sflag:s7] =	ssyncset.done $0x0;
	(pc) =	sbr.rel @p0 .LBB2_2-.Ltmp0, $4  }
0x74: {  	[sflag:s7] =	ssyncadd.s32 $0xFFFFC000;
	s1 =	sadd.s32 s31, s30  }
0x75: {  	[hbm4b:s1+s2] =	stream.linear.scatter [tilespmem:s10], [sflag:$0x2], $0x400, $0x38;
	[tilespmem:$0x4800] =	vst v63  }
0x76: {  	s5 =	smov.u32 s0;
	s0 =	sadd.s32 $0x80, s0;
	_ =	swait.ge [sflag:s7], $0x400  }
0x77: {  	s31 =	smov.u32 s5;
	s1 =	rddreg [dreg:$0x3];
	[sflag:s7] =	ssyncset.done $0x0  }
0x78: {  	[sflag:s7] =	ssyncadd.s32 $0xFFFFFC00;
	s0 =	sadd.s32 s31, s1  }
0x79: {  	[tilespmem:s2], [sflag:$0x2] =	stream.linear.gather [hbm4b:s0+s2], $0x400, $0x38;
	[tilespmem:$0x4800] =	vst v63  }
0x7a: {  	_ =	swait.ge [sflag:s7], $0x400  }
0x7b: {  	[sflag:s7] =	ssyncset.done $0x0  }
0x7c: {  	[sflag:s7] =	ssyncadd.s32 $0xFFFFFC00  }
0x7d: {  	[tilespmem:s9], [sflag:$0x1] =	stream.indirect.gather [hbm4b:s3+s8], $0x10, s2, s8, $0xb8;
	[tilespmem:$0x4800] =	vst v63  }
0x7e: {  	_ = 	snop  }
0x7f: {  	[tilespmem:s10], [sflag:$0x1] =	stream.indirect.gather [hbm4b:s4+s8], $0x1, s2, s8, $0xb8;
	[tilespmem:$0x4800] =	vst v63  }
0x80: {  	s1 =	rddreg [dreg:$0x4]  }
0x81: {  	[tilespmem:s1], [sflag:$0x1] =	stream.indirect.gather [hbm4b:s3+s8], $0x10, s8, s8, $0xb8;
	[tilespmem:$0x4800] =	vst v63  }
0x82: {  	s5 =	rddreg [dreg:$0x5]  }
0x83: {  	[tilespmem:s5], [sflag:$0x1] =	stream.indirect.gather [hbm4b:s4+s8], $0x1, s8, s8, $0xb8;
	[tilespmem:$0x4800] =	vst v63  }
0x84: {  	s30 =	rddreg [dreg:$0x6]  }
0x85: {  	[tilespmem:s30], [sflag:$0x1] =	stream.indirect.gather [hbm4b:s3+s8], $0x10, s11, s8, $0xb8;
	[tilespmem:$0x4800] =	vst v63  }
0x86: {  	_ = 	snop  }
0x87: {  	[tilespmem:s12], [sflag:$0x1] =	stream.indirect.gather [hbm4b:s4+s8], $0x1, s11, s8, $0xb8;
	[tilespmem:$0x4800] =	vst v63  }
0x88: {  	_ = 	snop  }
0x89: {  	[tilespmem:s14], [sflag:$0x1] =	stream.indirect.gather [hbm4b:s3+s8], $0x10, s13, s8, $0xb8;
	[tilespmem:$0x4800] =	vst v63  }
0x8a: {  	_ = 	snop  }
0x8b: {  	[tilespmem:s15], [sflag:$0x1] =	stream.indirect.gather [hbm4b:s4+s8], $0x1, s13, s8, $0xb8;
	[tilespmem:$0x4800] =	vst v63  }
0x8c: {  	_ = 	snop  }
0x8d: {  	[tilespmem:s17], [sflag:$0x1] =	stream.indirect.gather [hbm4b:s3+s8], $0x10, s16, s8, $0xb8;
	[tilespmem:$0x4800] =	vst v63  }
0x8e: {  	_ = 	snop  }
0x8f: {  	[tilespmem:s18], [sflag:$0x1] =	stream.indirect.gather [hbm4b:s4+s8], $0x1, s16, s8, $0xb8;
	[tilespmem:$0x4800] =	vst v63  }
0x90: {  	_ = 	snop  }
0x91: {  	[tilespmem:s20], [sflag:$0x1] =	stream.indirect.gather [hbm4b:s3+s8], $0x10, s19, s8, $0xb8;
	[tilespmem:$0x4800] =	vst v63  }
0x92: {  	_ = 	snop  }
0x93: {  	[tilespmem:s21], [sflag:$0x1] =	stream.indirect.gather [hbm4b:s4+s8], $0x1, s19, s8, $0xb8;
	[tilespmem:$0x4800] =	vst v63  }
0x94: {  	_ = 	snop  }
0x95: {  	[tilespmem:s23], [sflag:$0x1] =	stream.indirect.gather [hbm4b:s3+s8], $0x10, s22, s8, $0xb8;
	[tilespmem:$0x4800] =	vst v63  }
0x96: {  	_ = 	snop  }
0x97: {  	[tilespmem:s24], [sflag:$0x1] =	stream.indirect.gather [hbm4b:s4+s8], $0x1, s22, s8, $0xb8;
	[tilespmem:$0x4800] =	vst v63  }
0x98: {  	_ = 	snop  }
0x99: {  	[tilespmem:s26], [sflag:$0x1] =	stream.indirect.gather [hbm4b:s3+s8], $0x10, s25, s8, $0xb8;
	[tilespmem:$0x4800] =	vst v63  }
0x9a: {  	_ = 	snop  }
0x9b: {  	[tilespmem:s28], [sflag:$0x1] =	stream.indirect.gather [hbm4b:s4+s8], $0x1, s25, s8, $0xb8;
	[tilespmem:$0x4800] =	vst v63  }
0x9c: {  	_ =	swait.ge [sflag:s29], $0x4000  }
0x9d: {  	[sflag:s29] =	ssyncset.done $0x0  }
0x9e: {  	[sflag:s29] =	ssyncadd.s32 $0xFFFFC000  }
0x9f: {  	_ =	swait.ge [sflag:s29], $0x400  }
0xa0: {  	[sflag:s29] =	ssyncset.done $0x0  }
0xa1: {  	s5 =	sadd.s32 $0x800, s6;
	[sflag:s29] =	ssyncadd.s32 $0xFFFFFC00  }
0xa2: {  	[hbm4b:s5+s2] =	stream.linear.scatter [tilespmem:s9], [sflag:$0x2], $0x4000, $0x38;
	[tilespmem:$0x4800] =	vst v63  }
0xa3: {  	_ =	swait.ge [sflag:s7], $0x4000  }
0xa4: {  	s6 =	rddreg [dreg:$0x2];
	[sflag:s7] =	ssyncset.done $0x0  }
0xa5: {  	s0 =	sadd.s32 s31, s6;
	[sflag:s7] =	ssyncadd.s32 $0xFFFFC000  }
0xa6: {  	[hbm4b:s0+s2] =	stream.linear.scatter [tilespmem:s10], [sflag:$0x2], $0x400, $0x38;
	[tilespmem:$0x4800] =	vst v63  }
0xa7: {  	_ =	swait.ge [sflag:s7], $0x400  }
0xa8: {  	s30 =	rddreg [dreg:$0x9]  }
0xa9: {  	s31 =	rddreg [dreg:$0x7];
	s1 =	sadd.s32 $0x1, s30  }
0xaa: {  	p0 =	sne.s32 s1, s31  }
.Ltmp1:
0xab: {  	_ = 	snop;
	(pc) =	sbr.rel @p0 .LBB2_1-.Ltmp1, $3  }
0xac: {  	_ =	sdelay $0x1  }
0xad: {  	[sflag:s7] =	ssyncset.done $0x0  }
0xae: {  	[sflag:s7] =	ssyncadd.s32 $0xFFFFFC00  }
0xaf: {  	_ =	sfence.sel $0x180000  }
0xb0: {  	[bflag:$0x0] =	sbarrier.arrive $0xFFFF  }
0xb1: {  	_ =	strace $0x90000047  }
0xb2: {  	s0 =	stileid.u32;
	[bflag:$0x2] =	sbarrier.arrive $0xFFFF  }
0xb3: {  	p0 =	sne.s32 s0, $0x0;
	s0 =	rddreg [dreg:$0x1]  }
0xb4: {  	s0 =	sadd.s32 @!p0 $0x100000, s0  }
0xb5: {  	[sflag:s0] =	ssyncadd.tile.s32 @!p0 $0x1;
	_ =	shalt  }
.Lfunc_end2:
_tile_overlayer_lowered:
.L_overlay_start_2:
0xb6: {  	(tag) =	ssettag $0x2  }
0xb7: {  	s0 =	rddreg [dreg:$0x0];
	s2 =	stileid.u32  }
0xb8: {  	s1 =	rddreg [dreg:$0x1];
	p0 =	sne.s32 s2, $0x0  }
0xb9: {  	s3 =	rddreg [dreg:$0x2];
	[bflag:$0x3] =	sbarrier.arrive $0xFFFF;
	s2 =	simm.s32 @!p0 $0x1C02  }
0xba: {  	[timem:s3], [sflag:s2] =	dma.local @!p0 [hbm:s0], s1  }
0xbb: {  	s0 =	simm.s32 @!p0 $0x2  }
0xbc: {  	_ =	swait.ge @!p0 [sflag:s0], s1  }
0xbd: {  	s1 =	ssub.s32 @!p0 $0x0, s1;
	[sflag:s0] =	ssyncset.done @!p0 $0x0  }
0xbe: {  	[sflag:s0] =	ssyncadd.s32 @!p0 s1  }
0xbf: {  	[bflag:$0x3] =	sbarrier.arrive $0xFFFF  }
0xc0: {  	_ =	shalt  }

</sc_bundles>
